<compile_context>
chip_gen: v7x
topology: tpu7x:2x2x1
jax: 0.10.2.dev20260603
libtpu: 0.0.44.dev20260713+nightly
codegen_flags: <defaults>
</compile_context>

<pallas_src>
import functools

import jax
import jax.numpy as jnp
from jax import lax
from jax.experimental import pallas as pl
from jax.experimental.pallas import tpu as pltpu
from jax.experimental.pallas import tpu_sc as plsc

B = 16
MAX_SEQLEN = 4096
TOTAL = 32768
CLS_ID = 101
SEP_ID = 102
OUT_LEN = MAX_SEQLEN + 2
FULLW = 4096
HALFW = FULLW // 2
NPIECE_H = HALFW // 128
WIN_A = HALFW + 16
WIN_B = HALFW
STAGE = 24
IN_V = STAGE + 16 + FULLW + 16
PAD_TOTAL = TOTAL + MAX_SEQLEN


def _row_body(flat_hbm, cu_hbm, out_hbm, cu_v, in_v, out_v, sem_a, sem_b, sem_o):
    s = lax.axis_index("s")

    pltpu.sync_copy(cu_hbm, cu_v.at[pl.ds(0, 17)])
    iota = lax.broadcasted_iota(jnp.int32, (16,), 0)
    start = cu_v[pl.ds(s, 16)][0]
    end = cu_v[pl.ds(s + 1, 16)][0]
    ln = end - start
    lim = ln + 1

    base = jnp.maximum(jnp.bitwise_and(start - 8, -8), 0)
    base = pl.multiple_of(base, 8)
    shift = start - base
    cp_a = pltpu.async_copy(
        flat_hbm.at[pl.ds(base, WIN_A)], in_v.at[pl.ds(STAGE, WIN_A)], sem_a
    )
    cp_b = pltpu.async_copy(
        flat_hbm.at[pl.ds(base + WIN_A, WIN_B)],
        in_v.at[pl.ds(STAGE + WIN_A, WIN_B)],
        sem_b,
    )
    cp_a.wait()

    in_v[pl.ds(STAGE - 16 + shift, 16)] = jnp.where(iota == 15, CLS_ID, 0)
    sep_at = STAGE - 1 + shift + ln + 1

    def plant_sep(cond):
        sep_off = jnp.where(cond, sep_at, 0)

        @pl.when(cond)
        def _():
            old = in_v[pl.ds(sep_off, 16)]
            in_v[pl.ds(sep_off, 16)] = jnp.where(iota == 0, SEP_ID, old)

    plant_sep(ln + 1 <= HALFW - 1)

    @plsc.parallel_loop(0, HALFW, step=16, unroll=4)
    def _(i):
        vals = in_v[pl.ds(STAGE - 1 + shift + i, 16)]
        keep = iota + i <= lim
        out_v[pl.ds(i, 16)] = jnp.where(keep, vals, 0)

    copies = [
        pltpu.async_copy(
            out_v.at[pl.ds(t * 128, 128)],
            out_hbm.at[s, pl.ds(t * 128, 128)],
            sem_o,
        )
        for t in range(NPIECE_H)
    ]

    cp_b.wait()
    plant_sep((ln + 1 >= HALFW) & (ln + 1 <= FULLW - 1))

    @plsc.parallel_loop(HALFW, FULLW, step=16, unroll=4)
    def _(i):
        vals = in_v[pl.ds(STAGE - 1 + shift + i, 16)]
        keep = iota + i <= lim
        out_v[pl.ds(i, 16)] = jnp.where(keep, vals, 0)

    copies += [
        pltpu.async_copy(
            out_v.at[pl.ds(HALFW + t * 128, 128)],
            out_hbm.at[s, pl.ds(HALFW + t * 128, 128)],
            sem_o,
        )
        for t in range(NPIECE_H)
    ]
    for cp in copies:
        cp.wait()


@functools.partial(
    pl.kernel,
    out_type=jax.ShapeDtypeStruct((B, OUT_LEN), jnp.int32),
    mesh=plsc.VectorSubcoreMesh(
        core_axis_name="c", subcore_axis_name="s", num_cores=1
    ),
    compiler_params=pltpu.CompilerParams(use_tc_tiling_on_sc=True),
    scratch_types=[
        pltpu.VMEM((32,), jnp.int32),
        pltpu.VMEM((IN_V,), jnp.int32),
        pltpu.VMEM((FULLW,), jnp.int32),
        pltpu.SemaphoreType.DMA,
        pltpu.SemaphoreType.DMA,
        pltpu.SemaphoreType.DMA,
    ],
)
def _sc_merge(flat_hbm, cu_hbm, out_hbm, cu_v, in_v, out_v, sem_a, sem_b, sem_o):
    _row_body(flat_hbm, cu_hbm, out_hbm, cu_v, in_v, out_v, sem_a, sem_b, sem_o)


def kernel(flat_ids, cu_seqlens):
    cu = cu_seqlens.astype(jnp.int32)
    flat_pad = jnp.pad(flat_ids, (0, PAD_TOTAL - TOTAL))
    out = _sc_merge(flat_pad, cu)
    ln = cu[1:] - cu[:-1]
    last_tok = flat_ids[jnp.clip(cu[1:] - 1, 0, TOTAL - 1)]
    c0 = jnp.where(ln == MAX_SEQLEN, last_tok,
                   jnp.where(ln == MAX_SEQLEN - 1, SEP_ID, 0))
    c1 = jnp.where(ln == MAX_SEQLEN, SEP_ID, 0)
    tail = jnp.stack([c0, c1], axis=1).astype(out.dtype)
    return lax.dynamic_update_slice(out, tail, (0, MAX_SEQLEN))

# --- scband reference (transcript-rebuilt; emitter-appended) ---
"""Pipeline reference for scband-bert-preprocessing-layer-72395968741557 (READ-ONLY COPY).

The authoritative reference and input builder live on the scoring server;
editing this copy changes nothing except your own understanding.
"""

import jax, jax.numpy as jnp
import numpy as np

B = 16
MAX_SEQLEN = 4096
TOTAL = 32768
VOCAB = 30522
CLS_ID = 101
SEP_ID = 102
OUT_LEN = MAX_SEQLEN + 2  # room for [CLS] + tokens + [SEP]


def setup_inputs(seed: int = 0) -> dict:
    rng = np.random.default_rng(0)
    # ragged lengths summing exactly to TOTAL, each < MAX_SEQLEN
    l = rng.integers(500, 3500, size=B).astype(np.int64)
    l = np.floor(l * (TOTAL / l.sum())).astype(np.int64)
    l[-1] += TOTAL - l.sum()
    assert l.min() > 0 and l.max() <= MAX_SEQLEN
    cu = np.concatenate([[0], np.cumsum(l)]).astype(np.int32)
    key = jax.random.key(seed)
    flat_ids = jax.random.randint(key, (TOTAL,), 0, VOCAB, dtype=jnp.int32)
    return {"flat_ids": flat_ids, "cu_seqlens": jnp.asarray(cu, dtype=jnp.int32)}


def reference(flat_ids, cu_seqlens):
    # Models BertPreprocessingLayer.call on pre-tokenized ragged ids:
    #   token_ids (ragged) -> prepend cls_id, append sep_id per row -> to_tensor(0)
    cu = cu_seqlens.astype(jnp.int32)
    total = flat_ids.shape[0]
    nrows = cu.shape[0] - 1
    pos = jnp.arange(total, dtype=jnp.int32)
    # segment (row) id of every flat token
    rows = jnp.searchsorted(cu, pos, side='right') - 1
    # column inside the dense output, shifted by 1 for the [CLS] slot
    cols = pos - jnp.take(cu, rows) + 1
    out = jnp.zeros((nrows, OUT_LEN), dtype=flat_ids.dtype)
    # ragged -> dense scatter (to_tensor(0) equivalent, padding stays 0)
    out = out.at[rows, cols].set(flat_ids)
    # cls_ids column
    out = out.at[:, 0].set(jnp.asarray(CLS_ID, dtype=flat_ids.dtype))
    # sep_ids appended right after each row's tokens
    lengths = cu[1:] - cu[:-1]
    out = out.at[jnp.arange(nrows), lengths + 1].set(jnp.asarray(SEP_ID, dtype=flat_ids.dtype))
    return out

if __name__ == "__main__":
    import jax
    _d = setup_inputs()
    print(jax.jit(kernel)(*tuple(_d.values())))

</pallas_src>

<mosaic_0001>
#map = affine_map<(d0, d1) -> (0)>
#map1 = affine_map<(d0, d1) -> (0, 0)>
module attributes {stable_mosaic.version = 14 : i64} {
  func.func @_sc_merge(%arg0: i32, %arg1: i32, %arg2: memref<36864xi32, #tpu.memory_space<hbm>>, %arg3: memref<17xi32, #tpu.memory_space<hbm>>, %arg4: memref<16x4098xi32, #tpu.memory_space<hbm>>, %arg5: memref<32xi32, #tpu.memory_space<vmem>>, %arg6: memref<4152xi32, #tpu.memory_space<vmem>>, %arg7: memref<4096xi32, #tpu.memory_space<vmem>>, %arg8: memref<!tpu.dma_semaphore, #tpu.memory_space<semaphore_mem>>, %arg9: memref<!tpu.dma_semaphore, #tpu.memory_space<semaphore_mem>>, %arg10: memref<!tpu.dma_semaphore, #tpu.memory_space<semaphore_mem>>) attributes {dimension_semantics = [#tpu.dimension_semantics<core_parallel>, #tpu.dimension_semantics<subcore_parallel>], iteration_bounds = array<i64: 1, 16>, scalar_prefetch = 0 : i64, scratch_operands = 6 : i64, tpu.core_type = #tpu.core_type<sc_vector_subcore>, window_params = [{transform_indices = #map}, {transform_indices = #map}, {transform_indices = #map1}]} {
    "tpu.region"() ({
      %run_scoped3A = tpu.sem_alloc : memref<!tpu.dma_semaphore, #tpu.memory_space<semaphore_mem>>
      %dma_start3A_717 = arith.constant 0 : i32
      %dma_start3A_718 = tpu.memref_slice %arg5[%dma_start3A_717] : memref<32xi32, #tpu.memory_space<vmem>> -> memref<17xi32, #tpu.memory_space<vmem>>
      %dma_start3A_719 = arith.constant 0 : i32
      %dma_start3A_720 = tpu.memref_slice %arg5[%dma_start3A_719] : memref<32xi32, #tpu.memory_space<vmem>> -> memref<17xi32, #tpu.memory_space<vmem>>
      tpu.enqueue_dma source(%arg3 : memref<17xi32, #tpu.memory_space<hbm>>) target(%dma_start3A_720 : memref<17xi32, #tpu.memory_space<vmem>>) target_semaphore(%run_scoped3A : memref<!tpu.dma_semaphore, #tpu.memory_space<semaphore_mem>>)
      %dma_wait3A_721 = arith.constant 0 : i32
      %dma_wait3A_722 = tpu.memref_slice %arg5[%dma_wait3A_721] : memref<32xi32, #tpu.memory_space<vmem>> -> memref<17xi32, #tpu.memory_space<vmem>>
      %dma_wait3A_723 = arith.constant 0 : i32
      %dma_wait3A_724 = tpu.memref_slice %arg5[%dma_wait3A_723] : memref<32xi32, #tpu.memory_space<vmem>> -> memref<17xi32, #tpu.memory_space<vmem>>
      tpu.wait_dma2 semaphore(%run_scoped3A : memref<!tpu.dma_semaphore, #tpu.memory_space<semaphore_mem>>) src(%arg3 : memref<17xi32, #tpu.memory_space<hbm>>) dst(%dma_wait3A_724 : memref<17xi32, #tpu.memory_space<vmem>>)
      tpu.yield
    }) : () -> ()
    %iota3A = tpu.iota {dimensions = array<i32: 0>} : vector<16xi32>
    %get3A = arith.index_cast %arg1 : i32 to index
    %get3A_0 = tpu.vector_load %arg5[%get3A] {strides = array<i32>} : memref<32xi32, #tpu.memory_space<vmem>>, vector<16xi32>,
    %get3A_1 = vector.shape_cast %get3A_0 : vector<16xi32> to vector<16xi32>
    %slice3A = vector.extract_strided_slice %get3A_1 {offsets = [0], sizes = [1], strides = [1]} : vector<16xi32> to vector<1xi32>
    %squeeze3A = vector.extract %slice3A[0] : i32 from vector<1xi32>
    %add3A = arith.constant 1 : i32
    %add3A_2 = arith.addi %arg1, %add3A : i32
    %get3A_3 = arith.index_cast %add3A_2 : i32 to index
    %get3A_4 = tpu.vector_load %arg5[%get3A_3] {strides = array<i32>} : memref<32xi32, #tpu.memory_space<vmem>>, vector<16xi32>,
    %get3A_5 = vector.shape_cast %get3A_4 : vector<16xi32> to vector<16xi32>
    %slice3A_6 = vector.extract_strided_slice %get3A_5 {offsets = [0], sizes = [1], strides = [1]} : vector<16xi32> to vector<1xi32>
    %squeeze3A_7 = vector.extract %slice3A_6[0] : i32 from vector<1xi32>
    %sub3A = arith.subi %squeeze3A_7, %squeeze3A : i32
    %add3A_8 = arith.constant 1 : i32
    %add3A_9 = arith.addi %sub3A, %add3A_8 : i32
    %sub3A_10 = arith.constant 8 : i32
    %sub3A_11 = arith.subi %squeeze3A, %sub3A_10 : i32
    %and3A = arith.constant -8 : i32
    %and3A_12 = arith.andi %sub3A_11, %and3A : i32
    %max3A = arith.constant 0 : i32
    %max3A_13 = arith.maxsi %and3A_12, %max3A : i32
    %multiple_of3A = tpu.assume_multiple %max3A_13, 8 : i32
    %sub3A_14 = arith.subi %squeeze3A, %multiple_of3A : i32
    %dma_start3A = arith.constant 24 : i32
    %dma_start3A_15 = tpu.memref_slice %arg6[%dma_start3A] : memref<4152xi32, #tpu.memory_space<vmem>> -> memref<2064xi32, #tpu.memory_space<vmem>>
    %dma_start3A_16 = tpu.memref_slice %arg2[%multiple_of3A] : memref<36864xi32, #tpu.memory_space<hbm>> -> memref<2064xi32, #tpu.memory_space<hbm>>
    %dma_start3A_17 = arith.constant 24 : i32
    %dma_start3A_18 = tpu.memref_slice %arg6[%dma_start3A_17] : memref<4152xi32, #tpu.memory_space<vmem>> -> memref<2064xi32, #tpu.memory_space<vmem>>
    %dma_start3A_19 = tpu.memref_slice %arg2[%multiple_of3A] : memref<36864xi32, #tpu.memory_space<hbm>> -> memref<2064xi32, #tpu.memory_space<hbm>>
    tpu.enqueue_dma source(%dma_start3A_19 : memref<2064xi32, #tpu.memory_space<hbm>>) target(%dma_start3A_18 : memref<2064xi32, #tpu.memory_space<vmem>>) target_semaphore(%arg8 : memref<!tpu.dma_semaphore, #tpu.memory_space<semaphore_mem>>)
    %add3A_20 = arith.constant 2064 : i32
    %add3A_21 = arith.addi %multiple_of3A, %add3A_20 : i32
    %dma_start3A_22 = arith.constant 2088 : i32
    %dma_start3A_23 = tpu.memref_slice %arg6[%dma_start3A_22] : memref<4152xi32, #tpu.memory_space<vmem>> -> memref<2048xi32, #tpu.memory_space<vmem>>
    %dma_start3A_24 = tpu.memref_slice %arg2[%add3A_21] : memref<36864xi32, #tpu.memory_space<hbm>> -> memref<2048xi32, #tpu.memory_space<hbm>>
    %dma_start3A_25 = arith.constant 2088 : i32
    %dma_start3A_26 = tpu.memref_slice %arg6[%dma_start3A_25] : memref<4152xi32, #tpu.memory_space<vmem>> -> memref<2048xi32, #tpu.memory_space<vmem>>
    %dma_start3A_27 = tpu.memref_slice %arg2[%add3A_21] : memref<36864xi32, #tpu.memory_space<hbm>> -> memref<2048xi32, #tpu.memory_space<hbm>>
    tpu.enqueue_dma source(%dma_start3A_27 : memref<2048xi32, #tpu.memory_space<hbm>>) target(%dma_start3A_26 : memref<2048xi32, #tpu.memory_space<vmem>>) target_semaphore(%arg9 : memref<!tpu.dma_semaphore, #tpu.memory_space<semaphore_mem>>)
    %dma_wait3A = arith.constant 24 : i32
    %dma_wait3A_28 = tpu.memref_slice %arg6[%dma_wait3A] : memref<4152xi32, #tpu.memory_space<vmem>> -> memref<2064xi32, #tpu.memory_space<vmem>>
    %dma_wait3A_29 = tpu.memref_slice %arg2[%multiple_of3A] : memref<36864xi32, #tpu.memory_space<hbm>> -> memref<2064xi32, #tpu.memory_space<hbm>>
    %dma_wait3A_30 = arith.constant 24 : i32
    %dma_wait3A_31 = tpu.memref_slice %arg6[%dma_wait3A_30] : memref<4152xi32, #tpu.memory_space<vmem>> -> memref<2064xi32, #tpu.memory_space<vmem>>
    %dma_wait3A_32 = tpu.memref_slice %arg2[%multiple_of3A] : memref<36864xi32, #tpu.memory_space<hbm>> -> memref<2064xi32, #tpu.memory_space<hbm>>
    tpu.wait_dma2 semaphore(%arg8 : memref<!tpu.dma_semaphore, #tpu.memory_space<semaphore_mem>>) src(%dma_wait3A_32 : memref<2064xi32, #tpu.memory_space<hbm>>) dst(%dma_wait3A_31 : memref<2064xi32, #tpu.memory_space<vmem>>)
    %eq3A = arith.constant 15 : i32
    %eq3A_33 = vector.broadcast %eq3A : i32 to vector<16xi32>
    %eq3A_34 = arith.cmpi eq, %iota3A, %eq3A_33 : vector<16xi32>
    %jit3A = arith.constant 101 : i32
    %jit3A_35 = arith.constant 0 : i32
    %broadcast_in_dim3A = vector.broadcast %jit3A : i32 to vector<16xi32>
    %broadcast_in_dim3A_36 = vector.broadcast %jit3A_35 : i32 to vector<16xi32>
    %select_n3A = arith.select %eq3A_34, %broadcast_in_dim3A, %broadcast_in_dim3A_36 : vector<16xi1>, vector<16xi32>
    %add3A_37 = arith.constant 8 : i32
    %add3A_38 = arith.addi %add3A_37, %sub3A_14 : i32
    %swap3A = arith.index_cast %add3A_38 : i32 to index
    %swap3A_39 = tpu.vector_load %arg6[%swap3A] {strides = array<i32>} : memref<4152xi32, #tpu.memory_space<vmem>>, vector<16xi32>,
    %swap3A_40 = vector.shape_cast %swap3A_39 : vector<16xi32> to vector<16xi32>
    %swap3A_41 = vector.shape_cast %select_n3A : vector<16xi32> to vector<16xi32>
    tpu.vector_store %arg6[%swap3A], %swap3A_41 {strides = array<i32>} : memref<4152xi32, #tpu.memory_space<vmem>>, vector<16xi32>,
    %add3A_42 = arith.constant 23 : i32
    %add3A_43 = arith.addi %add3A_42, %sub3A_14 : i32
    %add3A_44 = arith.addi %add3A_43, %sub3A : i32
    %add3A_45 = arith.constant 1 : i32
    %add3A_46 = arith.addi %add3A_44, %add3A_45 : i32
    %add3A_47 = arith.constant 1 : i32
    %add3A_48 = arith.addi %sub3A, %add3A_47 : i32
    %le3A = arith.constant 2047 : i32
    %le3A_49 = arith.cmpi sle, %add3A_48, %le3A : i32
    %jit3A_50 = arith.constant 0 : i32
    %select_n3A_51 = arith.select %le3A_49, %add3A_46, %jit3A_50 : i32
    %convert_element_type3A = arith.extui %le3A_49 : i1 to i32
    %cond3A = arith.constant 0 : i32
    %cond3A_52 = arith.cmpi ne, %convert_element_type3A, %cond3A : i32
    scf.if %cond3A_52 {
      %get3A_717 = arith.index_cast %select_n3A_51 : i32 to index
      %get3A_718 = tpu.vector_load %arg6[%get3A_717] {strides = array<i32>} : memref<4152xi32, #tpu.memory_space<vmem>>, vector<16xi32>,
      %get3A_719 = vector.shape_cast %get3A_718 : vector<16xi32> to vector<16xi32>
      %eq3A_720 = arith.constant 0 : i32
      %eq3A_721 = vector.broadcast %eq3A_720 : i32 to vector<16xi32>
      %eq3A_722 = arith.cmpi eq, %iota3A, %eq3A_721 : vector<16xi32>
      %jit3A_723 = arith.constant 102 : i32
      %broadcast_in_dim3A_724 = vector.broadcast %jit3A_723 : i32 to vector<16xi32>
      %select_n3A_725 = arith.select %eq3A_722, %broadcast_in_dim3A_724, %get3A_719 : vector<16xi1>, vector<16xi32>
      %swap3A_726 = arith.index_cast %select_n3A_51 : i32 to index
      %swap3A_727 = tpu.vector_load %arg6[%swap3A_726] {strides = array<i32>} : memref<4152xi32, #tpu.memory_space<vmem>>, vector<16xi32>,
      %swap3A_728 = vector.shape_cast %swap3A_727 : vector<16xi32> to vector<16xi32>
      %swap3A_729 = vector.shape_cast %select_n3A_725 : vector<16xi32> to vector<16xi32>
      tpu.vector_store %arg6[%swap3A_726], %swap3A_729 {strides = array<i32>} : memref<4152xi32, #tpu.memory_space<vmem>>, vector<16xi32>,
    } else {
    }
    %parallel_loop3A = arith.constant 0 : i32
    %parallel_loop3A_53 = arith.constant 2048 : i32
    %parallel_loop3A_54 = arith.constant 16 : i32
    scf.for %parallel_loop3A_717 = %parallel_loop3A to %parallel_loop3A_53 step %parallel_loop3A_54  : i32 {
      %parallel_loop3A_718 = arith.constant 23 : i32
      %parallel_loop3A_719 = arith.addi %parallel_loop3A_718, %sub3A_14 : i32
      %parallel_loop3A_720 = arith.addi %parallel_loop3A_719, %parallel_loop3A_717 : i32
      %parallel_loop3A_721 = arith.index_cast %parallel_loop3A_720 : i32 to index
      %parallel_loop3A_722 = tpu.vector_load %arg6[%parallel_loop3A_721] {strides = array<i32>} : memref<4152xi32, #tpu.memory_space<vmem>>, vector<16xi32>,
      %parallel_loop3A_723 = vector.shape_cast %parallel_loop3A_722 : vector<16xi32> to vector<16xi32>
      %parallel_loop3A_724 = vector.broadcast %parallel_loop3A_717 : i32 to vector<16xi32>
      %parallel_loop3A_725 = arith.addi %iota3A, %parallel_loop3A_724 : vector<16xi32>
      %parallel_loop3A_726 = vector.broadcast %add3A_9 : i32 to vector<16xi32>
      %parallel_loop3A_727 = arith.cmpi sle, %parallel_loop3A_725, %parallel_loop3A_726 : vector<16xi32>
      %parallel_loop3A_728 = arith.constant 0 : i32
      %parallel_loop3A_729 = vector.broadcast %parallel_loop3A_728 : i32 to vector<16xi32>
      %parallel_loop3A_730 = arith.select %parallel_loop3A_727, %parallel_loop3A_723, %parallel_loop3A_729 : vector<16xi1>, vector<16xi32>
      %parallel_loop3A_731 = arith.index_cast %parallel_loop3A_717 : i32 to index
      %parallel_loop3A_732 = tpu.vector_load %arg7[%parallel_loop3A_731] {strides = array<i32>} : memref<4096xi32, #tpu.memory_space<vmem>>, vector<16xi32>,
      %parallel_loop3A_733 = vector.shape_cast %parallel_loop3A_732 : vector<16xi32> to vector<16xi32>
      %parallel_loop3A_734 = vector.shape_cast %parallel_loop3A_730 : vector<16xi32> to vector<16xi32>
      tpu.vector_store %arg7[%parallel_loop3A_731], %parallel_loop3A_734 {strides = array<i32>} : memref<4096xi32, #tpu.memory_space<vmem>>, vector<16xi32>,
    } {sc.loop_unroll_factor = 4 : i64, sc.parallel_access}
    %dma_start3A_55 = arith.constant 0 : i32
    %dma_start3A_56 = tpu.memref_slice %arg7[%dma_start3A_55] : memref<4096xi32, #tpu.memory_space<vmem>> -> memref<128xi32, #tpu.memory_space<vmem>>
    %dma_start3A_57 = arith.constant 0 : i32
    %dma_start3A_58 = tpu.memref_slice %arg4[%arg1, %dma_start3A_57] : memref<16x4098xi32, #tpu.memory_space<hbm>> -> memref<1x128xi32, #tpu.memory_space<hbm>>
    %dma_start3A_59 = tpu.memref_squeeze %dma_start3A_58 : memref<1x128xi32, #tpu.memory_space<hbm>> -> memref<128xi32, #tpu.memory_space<hbm>>
    %dma_start3A_60 = arith.constant 0 : i32
    %dma_start3A_61 = tpu.memref_slice %arg4[%arg1, %dma_start3A_60] : memref<16x4098xi32, #tpu.memory_space<hbm>> -> memref<1x128xi32, #tpu.memory_space<hbm>>
    %dma_start3A_62 = tpu.memref_squeeze %dma_start3A_61 : memref<1x128xi32, #tpu.memory_space<hbm>> -> memref<128xi32, #tpu.memory_space<hbm>>
    %dma_start3A_63 = arith.constant 0 : i32
    %dma_start3A_64 = tpu.memref_slice %arg7[%dma_start3A_63] : memref<4096xi32, #tpu.memory_space<vmem>> -> memref<128xi32, #tpu.memory_space<vmem>>
    tpu.enqueue_dma source(%dma_start3A_64 : memref<128xi32, #tpu.memory_space<vmem>>) target(%dma_start3A_62 : memref<128xi32, #tpu.memory_space<hbm>>) target_semaphore(%arg10 : memref<!tpu.dma_semaphore, #tpu.memory_space<semaphore_mem>>)
    %dma_start3A_65 = arith.constant 128 : i32
    %dma_start3A_66 = tpu.memref_slice %arg7[%dma_start3A_65] : memref<4096xi32, #tpu.memory_space<vmem>> -> memref<128xi32, #tpu.memory_space<vmem>>
    %dma_start3A_67 = arith.constant 128 : i32
    %dma_start3A_68 = tpu.memref_slice %arg4[%arg1, %dma_start3A_67] : memref<16x4098xi32, #tpu.memory_space<hbm>> -> memref<1x128xi32, #tpu.memory_space<hbm>>
    %dma_start3A_69 = tpu.memref_squeeze %dma_start3A_68 : memref<1x128xi32, #tpu.memory_space<hbm>> -> memref<128xi32, #tpu.memory_space<hbm>>
    %dma_start3A_70 = arith.constant 128 : i32
    %dma_start3A_71 = tpu.memref_slice %arg4[%arg1, %dma_start3A_70] : memref<16x4098xi32, #tpu.memory_space<hbm>> -> memref<1x128xi32, #tpu.memory_space<hbm>>
    %dma_start3A_72 = tpu.memref_squeeze %dma_start3A_71 : memref<1x128xi32, #tpu.memory_space<hbm>> -> memref<128xi32, #tpu.memory_space<hbm>>
    %dma_start3A_73 = arith.constant 128 : i32
    %dma_start3A_74 = tpu.memref_slice %arg7[%dma_start3A_73] : memref<4096xi32, #tpu.memory_space<vmem>> -> memref<128xi32, #tpu.memory_space<vmem>>
    tpu.enqueue_dma source(%dma_start3A_74 : memref<128xi32, #tpu.memory_space<vmem>>) target(%dma_start3A_72 : memref<128xi32, #tpu.memory_space<hbm>>) target_semaphore(%arg10 : memref<!tpu.dma_semaphore, #tpu.memory_space<semaphore_mem>>)
    %dma_start3A_75 = arith.constant 256 : i32
    %dma_start3A_76 = tpu.memref_slice %arg7[%dma_start3A_75] : memref<4096xi32, #tpu.memory_space<vmem>> -> memref<128xi32, #tpu.memory_space<vmem>>
    %dma_start3A_77 = arith.constant 256 : i32
    %dma_start3A_78 = tpu.memref_slice %arg4[%arg1, %dma_start3A_77] : memref<16x4098xi32, #tpu.memory_space<hbm>> -> memref<1x128xi32, #tpu.memory_space<hbm>>
    %dma_start3A_79 = tpu.memref_squeeze %dma_start3A_78 : memref<1x128xi32, #tpu.memory_space<hbm>> -> memref<128xi32, #tpu.memory_space<hbm>>
    %dma_start3A_80 = arith.constant 256 : i32
    %dma_start3A_81 = tpu.memref_slice %arg4[%arg1, %dma_start3A_80] : memref<16x4098xi32, #tpu.memory_space<hbm>> -> memref<1x128xi32, #tpu.memory_space<hbm>>
    %dma_start3A_82 = tpu.memref_squeeze %dma_start3A_81 : memref<1x128xi32, #tpu.memory_space<hbm>> -> memref<128xi32, #tpu.memory_space<hbm>>
    %dma_start3A_83 = arith.constant 256 : i32
    %dma_start3A_84 = tpu.memref_slice %arg7[%dma_start3A_83] : memref<4096xi32, #tpu.memory_space<vmem>> -> memref<128xi32, #tpu.memory_space<vmem>>
    tpu.enqueue_dma source(%dma_start3A_84 : memref<128xi32, #tpu.memory_space<vmem>>) target(%dma_start3A_82 : memref<128xi32, #tpu.memory_space<hbm>>) target_semaphore(%arg10 : memref<!tpu.dma_semaphore, #tpu.memory_space<semaphore_mem>>)
    %dma_start3A_85 = arith.constant 384 : i32
    %dma_start3A_86 = tpu.memref_slice %arg7[%dma_start3A_85] : memref<4096xi32, #tpu.memory_space<vmem>> -> memref<128xi32, #tpu.memory_space<vmem>>
    %dma_start3A_87 = arith.constant 384 : i32
    %dma_start3A_88 = tpu.memref_slice %arg4[%arg1, %dma_start3A_87] : memref<16x4098xi32, #tpu.memory_space<hbm>> -> memref<1x128xi32, #tpu.memory_space<hbm>>
    %dma_start3A_89 = tpu.memref_squeeze %dma_start3A_88 : memref<1x128xi32, #tpu.memory_space<hbm>> -> memref<128xi32, #tpu.memory_space<hbm>>
    %dma_start3A_90 = arith.constant 384 : i32
    %dma_start3A_91 = tpu.memref_slice %arg4[%arg1, %dma_start3A_90] : memref<16x4098xi32, #tpu.memory_space<hbm>> -> memref<1x128xi32, #tpu.memory_space<hbm>>
    %dma_start3A_92 = tpu.memref_squeeze %dma_start3A_91 : memref<1x128xi32, #tpu.memory_space<hbm>> -> memref<128xi32, #tpu.memory_space<hbm>>
    %dma_start3A_93 = arith.constant 384 : i32
    %dma_start3A_94 = tpu.memref_slice %arg7[%dma_start3A_93] : memref<4096xi32, #tpu.memory_space<vmem>> -> memref<128xi32, #tpu.memory_space<vmem>>
    tpu.enqueue_dma source(%dma_start3A_94 : memref<128xi32, #tpu.memory_space<vmem>>) target(%dma_start3A_92 : memref<128xi32, #tpu.memory_space<hbm>>) target_semaphore(%arg10 : memref<!tpu.dma_semaphore, #tpu.memory_space<semaphore_mem>>)
    %dma_start3A_95 = arith.constant 512 : i32
    %dma_start3A_96 = tpu.memref_slice %arg7[%dma_start3A_95] : memref<4096xi32, #tpu.memory_space<vmem>> -> memref<128xi32, #tpu.memory_space<vmem>>
    %dma_start3A_97 = arith.constant 512 : i32
    %dma_start3A_98 = tpu.memref_slice %arg4[%arg1, %dma_start3A_97] : memref<16x4098xi32, #tpu.memory_space<hbm>> -> memref<1x128xi32, #tpu.memory_space<hbm>>
    %dma_start3A_99 = tpu.memref_squeeze %dma_start3A_98 : memref<1x128xi32, #tpu.memory_space<hbm>> -> memref<128xi32, #tpu.memory_space<hbm>>
    %dma_start3A_100 = arith.constant 512 : i32
    %dma_start3A_101 = tpu.memref_slice %arg4[%arg1, %dma_start3A_100] : memref<16x4098xi32, #tpu.memory_space<hbm>> -> memref<1x128xi32, #tpu.memory_space<hbm>>
    %dma_start3A_102 = tpu.memref_squeeze %dma_start3A_101 : memref<1x128xi32, #tpu.memory_space<hbm>> -> memref<128xi32, #tpu.memory_space<hbm>>
    %dma_start3A_103 = arith.constant 512 : i32
    %dma_start3A_104 = tpu.memref_slice %arg7[%dma_start3A_103] : memref<4096xi32, #tpu.memory_space<vmem>> -> memref<128xi32, #tpu.memory_space<vmem>>
    tpu.enqueue_dma source(%dma_start3A_104 : memref<128xi32, #tpu.memory_space<vmem>>) target(%dma_start3A_102 : memref<128xi32, #tpu.memory_space<hbm>>) target_semaphore(%arg10 : memref<!tpu.dma_semaphore, #tpu.memory_space<semaphore_mem>>)
    %dma_start3A_105 = arith.constant 640 : i32
    %dma_start3A_106 = tpu.memref_slice %arg7[%dma_start3A_105] : memref<4096xi32, #tpu.memory_space<vmem>> -> memref<128xi32, #tpu.memory_space<vmem>>
    %dma_start3A_107 = arith.constant 640 : i32
    %dma_start3A_108 = tpu.memref_slice %arg4[%arg1, %dma_start3A_107] : memref<16x4098xi32, #tpu.memory_space<hbm>> -> memref<1x128xi32, #tpu.memory_space<hbm>>
    %dma_start3A_109 = tpu.memref_squeeze %dma_start3A_108 : memref<1x128xi32, #tpu.memory_space<hbm>> -> memref<128xi32, #tpu.memory_space<hbm>>
    %dma_start3A_110 = arith.constant 640 : i32
    %dma_start3A_111 = tpu.memref_slice %arg4[%arg1, %dma_start3A_110] : memref<16x4098xi32, #tpu.memory_space<hbm>> -> memref<1x128xi32, #tpu.memory_space<hbm>>
    %dma_start3A_112 = tpu.memref_squeeze %dma_start3A_111 : memref<1x128xi32, #tpu.memory_space<hbm>> -> memref<128xi32, #tpu.memory_space<hbm>>
    %dma_start3A_113 = arith.constant 640 : i32
    %dma_start3A_114 = tpu.memref_slice %arg7[%dma_start3A_113] : memref<4096xi32, #tpu.memory_space<vmem>> -> memref<128xi32, #tpu.memory_space<vmem>>
    tpu.enqueue_dma source(%dma_start3A_114 : memref<128xi32, #tpu.memory_space<vmem>>) target(%dma_start3A_112 : memref<128xi32, #tpu.memory_space<hbm>>) target_semaphore(%arg10 : memref<!tpu.dma_semaphore, #tpu.memory_space<semaphore_mem>>)
    %dma_start3A_115 = arith.constant 768 : i32
    %dma_start3A_116 = tpu.memref_slice %arg7[%dma_start3A_115] : memref<4096xi32, #tpu.memory_space<vmem>> -> memref<128xi32, #tpu.memory_space<vmem>>
    %dma_start3A_117 = arith.constant 768 : i32
    %dma_start3A_118 = tpu.memref_slice %arg4[%arg1, %dma_start3A_117] : memref<16x4098xi32, #tpu.memory_space<hbm>> -> memref<1x128xi32, #tpu.memory_space<hbm>>
    %dma_start3A_119 = tpu.memref_squeeze %dma_start3A_118 : memref<1x128xi32, #tpu.memory_space<hbm>> -> memref<128xi32, #tpu.memory_space<hbm>>
    %dma_start3A_120 = arith.constant 768 : i32
    %dma_start3A_121 = tpu.memref_slice %arg4[%arg1, %dma_start3A_120] : memref<16x4098xi32, #tpu.memory_space<hbm>> -> memref<1x128xi32, #tpu.memory_space<hbm>>
    %dma_start3A_122 = tpu.memref_squeeze %dma_start3A_121 : memref<1x128xi32, #tpu.memory_space<hbm>> -> memref<128xi32, #tpu.memory_space<hbm>>
    %dma_start3A_123 = arith.constant 768 : i32
    %dma_start3A_124 = tpu.memref_slice %arg7[%dma_start3A_123] : memref<4096xi32, #tpu.memory_space<vmem>> -> memref<128xi32, #tpu.memory_space<vmem>>
    tpu.enqueue_dma source(%dma_start3A_124 : memref<128xi32, #tpu.memory_space<vmem>>) target(%dma_start3A_122 : memref<128xi32, #tpu.memory_space<hbm>>) target_semaphore(%arg10 : memref<!tpu.dma_semaphore, #tpu.memory_space<semaphore_mem>>)
    %dma_start3A_125 = arith.constant 896 : i32
    %dma_start3A_126 = tpu.memref_slice %arg7[%dma_start3A_125] : memref<4096xi32, #tpu.memory_space<vmem>> -> memref<128xi32, #tpu.memory_space<vmem>>
    %dma_start3A_127 = arith.constant 896 : i32
    %dma_start3A_128 = tpu.memref_slice %arg4[%arg1, %dma_start3A_127] : memref<16x4098xi32, #tpu.memory_space<hbm>> -> memref<1x128xi32, #tpu.memory_space<hbm>>
    %dma_start3A_129 = tpu.memref_squeeze %dma_start3A_128 : memref<1x128xi32, #tpu.memory_space<hbm>> -> memref<128xi32, #tpu.memory_space<hbm>>
    %dma_start3A_130 = arith.constant 896 : i32
    %dma_start3A_131 = tpu.memref_slice %arg4[%arg1, %dma_start3A_130] : memref<16x4098xi32, #tpu.memory_space<hbm>> -> memref<1x128xi32, #tpu.memory_space<hbm>>
    %dma_start3A_132 = tpu.memref_squeeze %dma_start3A_131 : memref<1x128xi32, #tpu.memory_space<hbm>> -> memref<128xi32, #tpu.memory_space<hbm>>
    %dma_start3A_133 = arith.constant 896 : i32
    %dma_start3A_134 = tpu.memref_slice %arg7[%dma_start3A_133] : memref<4096xi32, #tpu.memory_space<vmem>> -> memref<128xi32, #tpu.memory_space<vmem>>
    tpu.enqueue_dma source(%dma_start3A_134 : memref<128xi32, #tpu.memory_space<vmem>>) target(%dma_start3A_132 : memref<128xi32, #tpu.memory_space<hbm>>) target_semaphore(%arg10 : memref<!tpu.dma_semaphore, #tpu.memory_space<semaphore_mem>>)
    %dma_start3A_135 = arith.constant 1024 : i32
    %dma_start3A_136 = tpu.memref_slice %arg7[%dma_start3A_135] : memref<4096xi32, #tpu.memory_space<vmem>> -> memref<128xi32, #tpu.memory_space<vmem>>
    %dma_start3A_137 = arith.constant 1024 : i32
    %dma_start3A_138 = tpu.memref_slice %arg4[%arg1, %dma_start3A_137] : memref<16x4098xi32, #tpu.memory_space<hbm>> -> memref<1x128xi32, #tpu.memory_space<hbm>>
    %dma_start3A_139 = tpu.memref_squeeze %dma_start3A_138 : memref<1x128xi32, #tpu.memory_space<hbm>> -> memref<128xi32, #tpu.memory_space<hbm>>
    %dma_start3A_140 = arith.constant 1024 : i32
    %dma_start3A_141 = tpu.memref_slice %arg4[%arg1, %dma_start3A_140] : memref<16x4098xi32, #tpu.memory_space<hbm>> -> memref<1x128xi32, #tpu.memory_space<hbm>>
    %dma_start3A_142 = tpu.memref_squeeze %dma_start3A_141 : memref<1x128xi32, #tpu.memory_space<hbm>> -> memref<128xi32, #tpu.memory_space<hbm>>
    %dma_start3A_143 = arith.constant 1024 : i32
    %dma_start3A_144 = tpu.memref_slice %arg7[%dma_start3A_143] : memref<4096xi32, #tpu.memory_space<vmem>> -> memref<128xi32, #tpu.memory_space<vmem>>
    tpu.enqueue_dma source(%dma_start3A_144 : memref<128xi32, #tpu.memory_space<vmem>>) target(%dma_start3A_142 : memref<128xi32, #tpu.memory_space<hbm>>) target_semaphore(%arg10 : memref<!tpu.dma_semaphore, #tpu.memory_space<semaphore_mem>>)
    %dma_start3A_145 = arith.constant 1152 : i32
    %dma_start3A_146 = tpu.memref_slice %arg7[%dma_start3A_145] : memref<4096xi32, #tpu.memory_space<vmem>> -> memref<128xi32, #tpu.memory_space<vmem>>
    %dma_start3A_147 = arith.constant 1152 : i32
    %dma_start3A_148 = tpu.memref_slice %arg4[%arg1, %dma_start3A_147] : memref<16x4098xi32, #tpu.memory_space<hbm>> -> memref<1x128xi32, #tpu.memory_space<hbm>>
    %dma_start3A_149 = tpu.memref_squeeze %dma_start3A_148 : memref<1x128xi32, #tpu.memory_space<hbm>> -> memref<128xi32, #tpu.memory_space<hbm>>
    %dma_start3A_150 = arith.constant 1152 : i32
    %dma_start3A_151 = tpu.memref_slice %arg4[%arg1, %dma_start3A_150] : memref<16x4098xi32, #tpu.memory_space<hbm>> -> memref<1x128xi32, #tpu.memory_space<hbm>>
    %dma_start3A_152 = tpu.memref_squeeze %dma_start3A_151 : memref<1x128xi32, #tpu.memory_space<hbm>> -> memref<128xi32, #tpu.memory_space<hbm>>
    %dma_start3A_153 = arith.constant 1152 : i32
    %dma_start3A_154 = tpu.memref_slice %arg7[%dma_start3A_153] : memref<4096xi32, #tpu.memory_space<vmem>> -> memref<128xi32, #tpu.memory_space<vmem>>
    tpu.enqueue_dma source(%dma_start3A_154 : memref<128xi32, #tpu.memory_space<vmem>>) target(%dma_start3A_152 : memref<128xi32, #tpu.memory_space<hbm>>) target_semaphore(%arg10 : memref<!tpu.dma_semaphore, #tpu.memory_space<semaphore_mem>>)
    %dma_start3A_155 = arith.constant 1280 : i32
    %dma_start3A_156 = tpu.memref_slice %arg7[%dma_start3A_155] : memref<4096xi32, #tpu.memory_space<vmem>> -> memref<128xi32, #tpu.memory_space<vmem>>
    %dma_start3A_157 = arith.constant 1280 : i32
    %dma_start3A_158 = tpu.memref_slice %arg4[%arg1, %dma_start3A_157] : memref<16x4098xi32, #tpu.memory_space<hbm>> -> memref<1x128xi32, #tpu.memory_space<hbm>>
    %dma_start3A_159 = tpu.memref_squeeze %dma_start3A_158 : memref<1x128xi32, #tpu.memory_space<hbm>> -> memref<128xi32, #tpu.memory_space<hbm>>
    %dma_start3A_160 = arith.constant 1280 : i32
    %dma_start3A_161 = tpu.memref_slice %arg4[%arg1, %dma_start3A_160] : memref<16x4098xi32, #tpu.memory_space<hbm>> -> memref<1x128xi32, #tpu.memory_space<hbm>>
    %dma_start3A_162 = tpu.memref_squeeze %dma_start3A_161 : memref<1x128xi32, #tpu.memory_space<hbm>> -> memref<128xi32, #tpu.memory_space<hbm>>
    %dma_start3A_163 = arith.constant 1280 : i32
    %dma_start3A_164 = tpu.memref_slice %arg7[%dma_start3A_163] : memref<4096xi32, #tpu.memory_space<vmem>> -> memref<128xi32, #tpu.memory_space<vmem>>
    tpu.enqueue_dma source(%dma_start3A_164 : memref<128xi32, #tpu.memory_space<vmem>>) target(%dma_start3A_162 : memref<128xi32, #tpu.memory_space<hbm>>) target_semaphore(%arg10 : memref<!tpu.dma_semaphore, #tpu.memory_space<semaphore_mem>>)
    %dma_start3A_165 = arith.constant 1408 : i32
    %dma_start3A_166 = tpu.memref_slice %arg7[%dma_start3A_165] : memref<4096xi32, #tpu.memory_space<vmem>> -> memref<128xi32, #tpu.memory_space<vmem>>
    %dma_start3A_167 = arith.constant 1408 : i32
    %dma_start3A_168 = tpu.memref_slice %arg4[%arg1, %dma_start3A_167] : memref<16x4098xi32, #tpu.memory_space<hbm>> -> memref<1x128xi32, #tpu.memory_space<hbm>>
    %dma_start3A_169 = tpu.memref_squeeze %dma_start3A_168 : memref<1x128xi32, #tpu.memory_space<hbm>> -> memref<128xi32, #tpu.memory_space<hbm>>
    %dma_start3A_170 = arith.constant 1408 : i32
    %dma_start3A_171 = tpu.memref_slice %arg4[%arg1, %dma_start3A_170] : memref<16x4098xi32, #tpu.memory_space<hbm>> -> memref<1x128xi32, #tpu.memory_space<hbm>>
    %dma_start3A_172 = tpu.memref_squeeze %dma_start3A_171 : memref<1x128xi32, #tpu.memory_space<hbm>> -> memref<128xi32, #tpu.memory_space<hbm>>
    %dma_start3A_173 = arith.constant 1408 : i32
    %dma_start3A_174 = tpu.memref_slice %arg7[%dma_start3A_173] : memref<4096xi32, #tpu.memory_space<vmem>> -> memref<128xi32, #tpu.memory_space<vmem>>
    tpu.enqueue_dma source(%dma_start3A_174 : memref<128xi32, #tpu.memory_space<vmem>>) target(%dma_start3A_172 : memref<128xi32, #tpu.memory_space<hbm>>) target_semaphore(%arg10 : memref<!tpu.dma_semaphore, #tpu.memory_space<semaphore_mem>>)
    %dma_start3A_175 = arith.constant 1536 : i32
    %dma_start3A_176 = tpu.memref_slice %arg7[%dma_start3A_175] : memref<4096xi32, #tpu.memory_space<vmem>> -> memref<128xi32, #tpu.memory_space<vmem>>
    %dma_start3A_177 = arith.constant 1536 : i32
    %dma_start3A_178 = tpu.memref_slice %arg4[%arg1, %dma_start3A_177] : memref<16x4098xi32, #tpu.memory_space<hbm>> -> memref<1x128xi32, #tpu.memory_space<hbm>>
    %dma_start3A_179 = tpu.memref_squeeze %dma_start3A_178 : memref<1x128xi32, #tpu.memory_space<hbm>> -> memref<128xi32, #tpu.memory_space<hbm>>
    %dma_start3A_180 = arith.constant 1536 : i32
    %dma_start3A_181 = tpu.memref_slice %arg4[%arg1, %dma_start3A_180] : memref<16x4098xi32, #tpu.memory_space<hbm>> -> memref<1x128xi32, #tpu.memory_space<hbm>>
    %dma_start3A_182 = tpu.memref_squeeze %dma_start3A_181 : memref<1x128xi32, #tpu.memory_space<hbm>> -> memref<128xi32, #tpu.memory_space<hbm>>
    %dma_start3A_183 = arith.constant 1536 : i32
    %dma_start3A_184 = tpu.memref_slice %arg7[%dma_start3A_183] : memref<4096xi32, #tpu.memory_space<vmem>> -> memref<128xi32, #tpu.memory_space<vmem>>
    tpu.enqueue_dma source(%dma_start3A_184 : memref<128xi32, #tpu.memory_space<vmem>>) target(%dma_start3A_182 : memref<128xi32, #tpu.memory_space<hbm>>) target_semaphore(%arg10 : memref<!tpu.dma_semaphore, #tpu.memory_space<semaphore_mem>>)
    %dma_start3A_185 = arith.constant 1664 : i32
    %dma_start3A_186 = tpu.memref_slice %arg7[%dma_start3A_185] : memref<4096xi32, #tpu.memory_space<vmem>> -> memref<128xi32, #tpu.memory_space<vmem>>
    %dma_start3A_187 = arith.constant 1664 : i32
    %dma_start3A_188 = tpu.memref_slice %arg4[%arg1, %dma_start3A_187] : memref<16x4098xi32, #tpu.memory_space<hbm>> -> memref<1x128xi32, #tpu.memory_space<hbm>>
    %dma_start3A_189 = tpu.memref_squeeze %dma_start3A_188 : memref<1x128xi32, #tpu.memory_space<hbm>> -> memref<128xi32, #tpu.memory_space<hbm>>
    %dma_start3A_190 = arith.constant 1664 : i32
    %dma_start3A_191 = tpu.memref_slice %arg4[%arg1, %dma_start3A_190] : memref<16x4098xi32, #tpu.memory_space<hbm>> -> memref<1x128xi32, #tpu.memory_space<hbm>>
    %dma_start3A_192 = tpu.memref_squeeze %dma_start3A_191 : memref<1x128xi32, #tpu.memory_space<hbm>> -> memref<128xi32, #tpu.memory_space<hbm>>
    %dma_start3A_193 = arith.constant 1664 : i32
    %dma_start3A_194 = tpu.memref_slice %arg7[%dma_start3A_193] : memref<4096xi32, #tpu.memory_space<vmem>> -> memref<128xi32, #tpu.memory_space<vmem>>
    tpu.enqueue_dma source(%dma_start3A_194 : memref<128xi32, #tpu.memory_space<vmem>>) target(%dma_start3A_192 : memref<128xi32, #tpu.memory_space<hbm>>) target_semaphore(%arg10 : memref<!tpu.dma_semaphore, #tpu.memory_space<semaphore_mem>>)
    %dma_start3A_195 = arith.constant 1792 : i32
    %dma_start3A_196 = tpu.memref_slice %arg7[%dma_start3A_195] : memref<4096xi32, #tpu.memory_space<vmem>> -> memref<128xi32, #tpu.memory_space<vmem>>
    %dma_start3A_197 = arith.constant 1792 : i32
    %dma_start3A_198 = tpu.memref_slice %arg4[%arg1, %dma_start3A_197] : memref<16x4098xi32, #tpu.memory_space<hbm>> -> memref<1x128xi32, #tpu.memory_space<hbm>>
    %dma_start3A_199 = tpu.memref_squeeze %dma_start3A_198 : memref<1x128xi32, #tpu.memory_space<hbm>> -> memref<128xi32, #tpu.memory_space<hbm>>
    %dma_start3A_200 = arith.constant 1792 : i32
    %dma_start3A_201 = tpu.memref_slice %arg4[%arg1, %dma_start3A_200] : memref<16x4098xi32, #tpu.memory_space<hbm>> -> memref<1x128xi32, #tpu.memory_space<hbm>>
    %dma_start3A_202 = tpu.memref_squeeze %dma_start3A_201 : memref<1x128xi32, #tpu.memory_space<hbm>> -> memref<128xi32, #tpu.memory_space<hbm>>
    %dma_start3A_203 = arith.constant 1792 : i32
    %dma_start3A_204 = tpu.memref_slice %arg7[%dma_start3A_203] : memref<4096xi32, #tpu.memory_space<vmem>> -> memref<128xi32, #tpu.memory_space<vmem>>
    tpu.enqueue_dma source(%dma_start3A_204 : memref<128xi32, #tpu.memory_space<vmem>>) target(%dma_start3A_202 : memref<128xi32, #tpu.memory_space<hbm>>) target_semaphore(%arg10 : memref<!tpu.dma_semaphore, #tpu.memory_space<semaphore_mem>>)
    %dma_start3A_205 = arith.constant 1920 : i32
    %dma_start3A_206 = tpu.memref_slice %arg7[%dma_start3A_205] : memref<4096xi32, #tpu.memory_space<vmem>> -> memref<128xi32, #tpu.memory_space<vmem>>
    %dma_start3A_207 = arith.constant 1920 : i32
    %dma_start3A_208 = tpu.memref_slice %arg4[%arg1, %dma_start3A_207] : memref<16x4098xi32, #tpu.memory_space<hbm>> -> memref<1x128xi32, #tpu.memory_space<hbm>>
    %dma_start3A_209 = tpu.memref_squeeze %dma_start3A_208 : memref<1x128xi32, #tpu.memory_space<hbm>> -> memref<128xi32, #tpu.memory_space<hbm>>
    %dma_start3A_210 = arith.constant 1920 : i32
    %dma_start3A_211 = tpu.memref_slice %arg4[%arg1, %dma_start3A_210] : memref<16x4098xi32, #tpu.memory_space<hbm>> -> memref<1x128xi32, #tpu.memory_space<hbm>>
    %dma_start3A_212 = tpu.memref_squeeze %dma_start3A_211 : memref<1x128xi32, #tpu.memory_space<hbm>> -> memref<128xi32, #tpu.memory_space<hbm>>
    %dma_start3A_213 = arith.constant 1920 : i32
    %dma_start3A_214 = tpu.memref_slice %arg7[%dma_start3A_213] : memref<4096xi32, #tpu.memory_space<vmem>> -> memref<128xi32, #tpu.memory_space<vmem>>
    tpu.enqueue_dma source(%dma_start3A_214 : memref<128xi32, #tpu.memory_space<vmem>>) target(%dma_start3A_212 : memref<128xi32, #tpu.memory_space<hbm>>) target_semaphore(%arg10 : memref<!tpu.dma_semaphore, #tpu.memory_space<semaphore_mem>>)
    %dma_wait3A_215 = arith.constant 2088 : i32
    %dma_wait3A_216 = tpu.memref_slice %arg6[%dma_wait3A_215] : memref<4152xi32, #tpu.memory_space<vmem>> -> memref<2048xi32, #tpu.memory_space<vmem>>
    %dma_wait3A_217 = tpu.memref_slice %arg2[%add3A_21] : memref<36864xi32, #tpu.memory_space<hbm>> -> memref<2048xi32, #tpu.memory_space<hbm>>
    %dma_wait3A_218 = arith.constant 2088 : i32
    %dma_wait3A_219 = tpu.memref_slice %arg6[%dma_wait3A_218] : memref<4152xi32, #tpu.memory_space<vmem>> -> memref<2048xi32, #tpu.memory_space<vmem>>
    %dma_wait3A_220 = tpu.memref_slice %arg2[%add3A_21] : memref<36864xi32, #tpu.memory_space<hbm>> -> memref<2048xi32, #tpu.memory_space<hbm>>
    tpu.wait_dma2 semaphore(%arg9 : memref<!tpu.dma_semaphore, #tpu.memory_space<semaphore_mem>>) src(%dma_wait3A_220 : memref<2048xi32, #tpu.memory_space<hbm>>) dst(%dma_wait3A_219 : memref<2048xi32, #tpu.memory_space<vmem>>)
    %add3A_221 = arith.constant 1 : i32
    %add3A_222 = arith.addi %sub3A, %add3A_221 : i32
    %ge3A = arith.constant 2048 : i32
    %ge3A_223 = arith.cmpi sge, %add3A_222, %ge3A : i32
    %add3A_224 = arith.constant 1 : i32
    %add3A_225 = arith.addi %sub3A, %add3A_224 : i32
    %le3A_226 = arith.constant 4095 : i32
    %le3A_227 = arith.cmpi sle, %add3A_225, %le3A_226 : i32
    %and3A_228 = arith.andi %ge3A_223, %le3A_227 : i1
    %jit3A_229 = arith.constant 0 : i32
    %select_n3A_230 = arith.select %and3A_228, %add3A_46, %jit3A_229 : i32
    %convert_element_type3A_231 = arith.extui %and3A_228 : i1 to i32
    %cond3A_232 = arith.constant 0 : i32
    %cond3A_233 = arith.cmpi ne, %convert_element_type3A_231, %cond3A_232 : i32
    scf.if %cond3A_233 {
      %get3A_717 = arith.index_cast %select_n3A_230 : i32 to index
      %get3A_718 = tpu.vector_load %arg6[%get3A_717] {strides = array<i32>} : memref<4152xi32, #tpu.memory_space<vmem>>, vector<16xi32>,
      %get3A_719 = vector.shape_cast %get3A_718 : vector<16xi32> to vector<16xi32>
      %eq3A_720 = arith.constant 0 : i32
      %eq3A_721 = vector.broadcast %eq3A_720 : i32 to vector<16xi32>
      %eq3A_722 = arith.cmpi eq, %iota3A, %eq3A_721 : vector<16xi32>
      %jit3A_723 = arith.constant 102 : i32
      %broadcast_in_dim3A_724 = vector.broadcast %jit3A_723 : i32 to vector<16xi32>
      %select_n3A_725 = arith.select %eq3A_722, %broadcast_in_dim3A_724, %get3A_719 : vector<16xi1>, vector<16xi32>
      %swap3A_726 = arith.index_cast %select_n3A_230 : i32 to index
      %swap3A_727 = tpu.vector_load %arg6[%swap3A_726] {strides = array<i32>} : memref<4152xi32, #tpu.memory_space<vmem>>, vector<16xi32>,
      %swap3A_728 = vector.shape_cast %swap3A_727 : vector<16xi32> to vector<16xi32>
      %swap3A_729 = vector.shape_cast %select_n3A_725 : vector<16xi32> to vector<16xi32>
      tpu.vector_store %arg6[%swap3A_726], %swap3A_729 {strides = array<i32>} : memref<4152xi32, #tpu.memory_space<vmem>>, vector<16xi32>,
    } else {
    }
    %parallel_loop3A_234 = arith.constant 2048 : i32
    %parallel_loop3A_235 = arith.constant 4096 : i32
    %parallel_loop3A_236 = arith.constant 16 : i32
    scf.for %parallel_loop3A_717 = %parallel_loop3A_234 to %parallel_loop3A_235 step %parallel_loop3A_236  : i32 {
      %parallel_loop3A_718 = arith.constant 23 : i32
      %parallel_loop3A_719 = arith.addi %parallel_loop3A_718, %sub3A_14 : i32
      %parallel_loop3A_720 = arith.addi %parallel_loop3A_719, %parallel_loop3A_717 : i32
      %parallel_loop3A_721 = arith.index_cast %parallel_loop3A_720 : i32 to index
      %parallel_loop3A_722 = tpu.vector_load %arg6[%parallel_loop3A_721] {strides = array<i32>} : memref<4152xi32, #tpu.memory_space<vmem>>, vector<16xi32>,
      %parallel_loop3A_723 = vector.shape_cast %parallel_loop3A_722 : vector<16xi32> to vector<16xi32>
      %parallel_loop3A_724 = vector.broadcast %parallel_loop3A_717 : i32 to vector<16xi32>
      %parallel_loop3A_725 = arith.addi %iota3A, %parallel_loop3A_724 : vector<16xi32>
      %parallel_loop3A_726 = vector.broadcast %add3A_9 : i32 to vector<16xi32>
      %parallel_loop3A_727 = arith.cmpi sle, %parallel_loop3A_725, %parallel_loop3A_726 : vector<16xi32>
      %parallel_loop3A_728 = arith.constant 0 : i32
      %parallel_loop3A_729 = vector.broadcast %parallel_loop3A_728 : i32 to vector<16xi32>
      %parallel_loop3A_730 = arith.select %parallel_loop3A_727, %parallel_loop3A_723, %parallel_loop3A_729 : vector<16xi1>, vector<16xi32>
      %parallel_loop3A_731 = arith.index_cast %parallel_loop3A_717 : i32 to index
      %parallel_loop3A_732 = tpu.vector_load %arg7[%parallel_loop3A_731] {strides = array<i32>} : memref<4096xi32, #tpu.memory_space<vmem>>, vector<16xi32>,
      %parallel_loop3A_733 = vector.shape_cast %parallel_loop3A_732 : vector<16xi32> to vector<16xi32>
      %parallel_loop3A_734 = vector.shape_cast %parallel_loop3A_730 : vector<16xi32> to vector<16xi32>
      tpu.vector_store %arg7[%parallel_loop3A_731], %parallel_loop3A_734 {strides = array<i32>} : memref<4096xi32, #tpu.memory_space<vmem>>, vector<16xi32>,
    } {sc.loop_unroll_factor = 4 : i64, sc.parallel_access}
    %dma_start3A_237 = arith.constant 2048 : i32
    %dma_start3A_238 = tpu.memref_slice %arg7[%dma_start3A_237] : memref<4096xi32, #tpu.memory_space<vmem>> -> memref<128xi32, #tpu.memory_space<vmem>>
    %dma_start3A_239 = arith.constant 2048 : i32
    %dma_start3A_240 = tpu.memref_slice %arg4[%arg1, %dma_start3A_239] : memref<16x4098xi32, #tpu.memory_space<hbm>> -> memref<1x128xi32, #tpu.memory_space<hbm>>
    %dma_start3A_241 = tpu.memref_squeeze %dma_start3A_240 : memref<1x128xi32, #tpu.memory_space<hbm>> -> memref<128xi32, #tpu.memory_space<hbm>>
    %dma_start3A_242 = arith.constant 2048 : i32
    %dma_start3A_243 = tpu.memref_slice %arg4[%arg1, %dma_start3A_242] : memref<16x4098xi32, #tpu.memory_space<hbm>> -> memref<1x128xi32, #tpu.memory_space<hbm>>
    %dma_start3A_244 = tpu.memref_squeeze %dma_start3A_243 : memref<1x128xi32, #tpu.memory_space<hbm>> -> memref<128xi32, #tpu.memory_space<hbm>>
    %dma_start3A_245 = arith.constant 2048 : i32
    %dma_start3A_246 = tpu.memref_slice %arg7[%dma_start3A_245] : memref<4096xi32, #tpu.memory_space<vmem>> -> memref<128xi32, #tpu.memory_space<vmem>>
    tpu.enqueue_dma source(%dma_start3A_246 : memref<128xi32, #tpu.memory_space<vmem>>) target(%dma_start3A_244 : memref<128xi32, #tpu.memory_space<hbm>>) target_semaphore(%arg10 : memref<!tpu.dma_semaphore, #tpu.memory_space<semaphore_mem>>)
    %dma_start3A_247 = arith.constant 2176 : i32
    %dma_start3A_248 = tpu.memref_slice %arg7[%dma_start3A_247] : memref<4096xi32, #tpu.memory_space<vmem>> -> memref<128xi32, #tpu.memory_space<vmem>>
    %dma_start3A_249 = arith.constant 2176 : i32
    %dma_start3A_250 = tpu.memref_slice %arg4[%arg1, %dma_start3A_249] : memref<16x4098xi32, #tpu.memory_space<hbm>> -> memref<1x128xi32, #tpu.memory_space<hbm>>
    %dma_start3A_251 = tpu.memref_squeeze %dma_start3A_250 : memref<1x128xi32, #tpu.memory_space<hbm>> -> memref<128xi32, #tpu.memory_space<hbm>>
    %dma_start3A_252 = arith.constant 2176 : i32
    %dma_start3A_253 = tpu.memref_slice %arg4[%arg1, %dma_start3A_252] : memref<16x4098xi32, #tpu.memory_space<hbm>> -> memref<1x128xi32, #tpu.memory_space<hbm>>
    %dma_start3A_254 = tpu.memref_squeeze %dma_start3A_253 : memref<1x128xi32, #tpu.memory_space<hbm>> -> memref<128xi32, #tpu.memory_space<hbm>>
    %dma_start3A_255 = arith.constant 2176 : i32
    %dma_start3A_256 = tpu.memref_slice %arg7[%dma_start3A_255] : memref<4096xi32, #tpu.memory_space<vmem>> -> memref<128xi32, #tpu.memory_space<vmem>>
    tpu.enqueue_dma source(%dma_start3A_256 : memref<128xi32, #tpu.memory_space<vmem>>) target(%dma_start3A_254 : memref<128xi32, #tpu.memory_space<hbm>>) target_semaphore(%arg10 : memref<!tpu.dma_semaphore, #tpu.memory_space<semaphore_mem>>)
    %dma_start3A_257 = arith.constant 2304 : i32
    %dma_start3A_258 = tpu.memref_slice %arg7[%dma_start3A_257] : memref<4096xi32, #tpu.memory_space<vmem>> -> memref<128xi32, #tpu.memory_space<vmem>>
    %dma_start3A_259 = arith.constant 2304 : i32
    %dma_start3A_260 = tpu.memref_slice %arg4[%arg1, %dma_start3A_259] : memref<16x4098xi32, #tpu.memory_space<hbm>> -> memref<1x128xi32, #tpu.memory_space<hbm>>
    %dma_start3A_261 = tpu.memref_squeeze %dma_start3A_260 : memref<1x128xi32, #tpu.memory_space<hbm>> -> memref<128xi32, #tpu.memory_space<hbm>>
    %dma_start3A_262 = arith.constant 2304 : i32
    %dma_start3A_263 = tpu.memref_slice %arg4[%arg1, %dma_start3A_262] : memref<16x4098xi32, #tpu.memory_space<hbm>> -> memref<1x128xi32, #tpu.memory_space<hbm>>
    %dma_start3A_264 = tpu.memref_squeeze %dma_start3A_263 : memref<1x128xi32, #tpu.memory_space<hbm>> -> memref<128xi32, #tpu.memory_space<hbm>>
    %dma_start3A_265 = arith.constant 2304 : i32
    %dma_start3A_266 = tpu.memref_slice %arg7[%dma_start3A_265] : memref<4096xi32, #tpu.memory_space<vmem>> -> memref<128xi32, #tpu.memory_space<vmem>>
    tpu.enqueue_dma source(%dma_start3A_266 : memref<128xi32, #tpu.memory_space<vmem>>) target(%dma_start3A_264 : memref<128xi32, #tpu.memory_space<hbm>>) target_semaphore(%arg10 : memref<!tpu.dma_semaphore, #tpu.memory_space<semaphore_mem>>)
    %dma_start3A_267 = arith.constant 2432 : i32
    %dma_start3A_268 = tpu.memref_slice %arg7[%dma_start3A_267] : memref<4096xi32, #tpu.memory_space<vmem>> -> memref<128xi32, #tpu.memory_space<vmem>>
    %dma_start3A_269 = arith.constant 2432 : i32
    %dma_start3A_270 = tpu.memref_slice %arg4[%arg1, %dma_start3A_269] : memref<16x4098xi32, #tpu.memory_space<hbm>> -> memref<1x128xi32, #tpu.memory_space<hbm>>
    %dma_start3A_271 = tpu.memref_squeeze %dma_start3A_270 : memref<1x128xi32, #tpu.memory_space<hbm>> -> memref<128xi32, #tpu.memory_space<hbm>>
    %dma_start3A_272 = arith.constant 2432 : i32
    %dma_start3A_273 = tpu.memref_slice %arg4[%arg1, %dma_start3A_272] : memref<16x4098xi32, #tpu.memory_space<hbm>> -> memref<1x128xi32, #tpu.memory_space<hbm>>
    %dma_start3A_274 = tpu.memref_squeeze %dma_start3A_273 : memref<1x128xi32, #tpu.memory_space<hbm>> -> memref<128xi32, #tpu.memory_space<hbm>>
    %dma_start3A_275 = arith.constant 2432 : i32
    %dma_start3A_276 = tpu.memref_slice %arg7[%dma_start3A_275] : memref<4096xi32, #tpu.memory_space<vmem>> -> memref<128xi32, #tpu.memory_space<vmem>>
    tpu.enqueue_dma source(%dma_start3A_276 : memref<128xi32, #tpu.memory_space<vmem>>) target(%dma_start3A_274 : memref<128xi32, #tpu.memory_space<hbm>>) target_semaphore(%arg10 : memref<!tpu.dma_semaphore, #tpu.memory_space<semaphore_mem>>)
    %dma_start3A_277 = arith.constant 2560 : i32
    %dma_start3A_278 = tpu.memref_slice %arg7[%dma_start3A_277] : memref<4096xi32, #tpu.memory_space<vmem>> -> memref<128xi32, #tpu.memory_space<vmem>>
    %dma_start3A_279 = arith.constant 2560 : i32
    %dma_start3A_280 = tpu.memref_slice %arg4[%arg1, %dma_start3A_279] : memref<16x4098xi32, #tpu.memory_space<hbm>> -> memref<1x128xi32, #tpu.memory_space<hbm>>
    %dma_start3A_281 = tpu.memref_squeeze %dma_start3A_280 : memref<1x128xi32, #tpu.memory_space<hbm>> -> memref<128xi32, #tpu.memory_space<hbm>>
    %dma_start3A_282 = arith.constant 2560 : i32
    %dma_start3A_283 = tpu.memref_slice %arg4[%arg1, %dma_start3A_282] : memref<16x4098xi32, #tpu.memory_space<hbm>> -> memref<1x128xi32, #tpu.memory_space<hbm>>
    %dma_start3A_284 = tpu.memref_squeeze %dma_start3A_283 : memref<1x128xi32, #tpu.memory_space<hbm>> -> memref<128xi32, #tpu.memory_space<hbm>>
    %dma_start3A_285 = arith.constant 2560 : i32
    %dma_start3A_286 = tpu.memref_slice %arg7[%dma_start3A_285] : memref<4096xi32, #tpu.memory_space<vmem>> -> memref<128xi32, #tpu.memory_space<vmem>>
    tpu.enqueue_dma source(%dma_start3A_286 : memref<128xi32, #tpu.memory_space<vmem>>) target(%dma_start3A_284 : memref<128xi32, #tpu.memory_space<hbm>>) target_semaphore(%arg10 : memref<!tpu.dma_semaphore, #tpu.memory_space<semaphore_mem>>)
    %dma_start3A_287 = arith.constant 2688 : i32
    %dma_start3A_288 = tpu.memref_slice %arg7[%dma_start3A_287] : memref<4096xi32, #tpu.memory_space<vmem>> -> memref<128xi32, #tpu.memory_space<vmem>>
    %dma_start3A_289 = arith.constant 2688 : i32
    %dma_start3A_290 = tpu.memref_slice %arg4[%arg1, %dma_start3A_289] : memref<16x4098xi32, #tpu.memory_space<hbm>> -> memref<1x128xi32, #tpu.memory_space<hbm>>
    %dma_start3A_291 = tpu.memref_squeeze %dma_start3A_290 : memref<1x128xi32, #tpu.memory_space<hbm>> -> memref<128xi32, #tpu.memory_space<hbm>>
    %dma_start3A_292 = arith.constant 2688 : i32
    %dma_start3A_293 = tpu.memref_slice %arg4[%arg1, %dma_start3A_292] : memref<16x4098xi32, #tpu.memory_space<hbm>> -> memref<1x128xi32, #tpu.memory_space<hbm>>
    %dma_start3A_294 = tpu.memref_squeeze %dma_start3A_293 : memref<1x128xi32, #tpu.memory_space<hbm>> -> memref<128xi32, #tpu.memory_space<hbm>>
    %dma_start3A_295 = arith.constant 2688 : i32
    %dma_start3A_296 = tpu.memref_slice %arg7[%dma_start3A_295] : memref<4096xi32, #tpu.memory_space<vmem>> -> memref<128xi32, #tpu.memory_space<vmem>>
    tpu.enqueue_dma source(%dma_start3A_296 : memref<128xi32, #tpu.memory_space<vmem>>) target(%dma_start3A_294 : memref<128xi32, #tpu.memory_space<hbm>>) target_semaphore(%arg10 : memref<!tpu.dma_semaphore, #tpu.memory_space<semaphore_mem>>)
    %dma_start3A_297 = arith.constant 2816 : i32
    %dma_start3A_298 = tpu.memref_slice %arg7[%dma_start3A_297] : memref<4096xi32, #tpu.memory_space<vmem>> -> memref<128xi32, #tpu.memory_space<vmem>>
    %dma_start3A_299 = arith.constant 2816 : i32
    %dma_start3A_300 = tpu.memref_slice %arg4[%arg1, %dma_start3A_299] : memref<16x4098xi32, #tpu.memory_space<hbm>> -> memref<1x128xi32, #tpu.memory_space<hbm>>
    %dma_start3A_301 = tpu.memref_squeeze %dma_start3A_300 : memref<1x128xi32, #tpu.memory_space<hbm>> -> memref<128xi32, #tpu.memory_space<hbm>>
    %dma_start3A_302 = arith.constant 2816 : i32
    %dma_start3A_303 = tpu.memref_slice %arg4[%arg1, %dma_start3A_302] : memref<16x4098xi32, #tpu.memory_space<hbm>> -> memref<1x128xi32, #tpu.memory_space<hbm>>
    %dma_start3A_304 = tpu.memref_squeeze %dma_start3A_303 : memref<1x128xi32, #tpu.memory_space<hbm>> -> memref<128xi32, #tpu.memory_space<hbm>>
    %dma_start3A_305 = arith.constant 2816 : i32
    %dma_start3A_306 = tpu.memref_slice %arg7[%dma_start3A_305] : memref<4096xi32, #tpu.memory_space<vmem>> -> memref<128xi32, #tpu.memory_space<vmem>>
    tpu.enqueue_dma source(%dma_start3A_306 : memref<128xi32, #tpu.memory_space<vmem>>) target(%dma_start3A_304 : memref<128xi32, #tpu.memory_space<hbm>>) target_semaphore(%arg10 : memref<!tpu.dma_semaphore, #tpu.memory_space<semaphore_mem>>)
    %dma_start3A_307 = arith.constant 2944 : i32
    %dma_start3A_308 = tpu.memref_slice %arg7[%dma_start3A_307] : memref<4096xi32, #tpu.memory_space<vmem>> -> memref<128xi32, #tpu.memory_space<vmem>>
    %dma_start3A_309 = arith.constant 2944 : i32
    %dma_start3A_310 = tpu.memref_slice %arg4[%arg1, %dma_start3A_309] : memref<16x4098xi32, #tpu.memory_space<hbm>> -> memref<1x128xi32, #tpu.memory_space<hbm>>
    %dma_start3A_311 = tpu.memref_squeeze %dma_start3A_310 : memref<1x128xi32, #tpu.memory_space<hbm>> -> memref<128xi32, #tpu.memory_space<hbm>>
    %dma_start3A_312 = arith.constant 2944 : i32
    %dma_start3A_313 = tpu.memref_slice %arg4[%arg1, %dma_start3A_312] : memref<16x4098xi32, #tpu.memory_space<hbm>> -> memref<1x128xi32, #tpu.memory_space<hbm>>
    %dma_start3A_314 = tpu.memref_squeeze %dma_start3A_313 : memref<1x128xi32, #tpu.memory_space<hbm>> -> memref<128xi32, #tpu.memory_space<hbm>>
    %dma_start3A_315 = arith.constant 2944 : i32
    %dma_start3A_316 = tpu.memref_slice %arg7[%dma_start3A_315] : memref<4096xi32, #tpu.memory_space<vmem>> -> memref<128xi32, #tpu.memory_space<vmem>>
    tpu.enqueue_dma source(%dma_start3A_316 : memref<128xi32, #tpu.memory_space<vmem>>) target(%dma_start3A_314 : memref<128xi32, #tpu.memory_space<hbm>>) target_semaphore(%arg10 : memref<!tpu.dma_semaphore, #tpu.memory_space<semaphore_mem>>)
    %dma_start3A_317 = arith.constant 3072 : i32
    %dma_start3A_318 = tpu.memref_slice %arg7[%dma_start3A_317] : memref<4096xi32, #tpu.memory_space<vmem>> -> memref<128xi32, #tpu.memory_space<vmem>>
    %dma_start3A_319 = arith.constant 3072 : i32
    %dma_start3A_320 = tpu.memref_slice %arg4[%arg1, %dma_start3A_319] : memref<16x4098xi32, #tpu.memory_space<hbm>> -> memref<1x128xi32, #tpu.memory_space<hbm>>
    %dma_start3A_321 = tpu.memref_squeeze %dma_start3A_320 : memref<1x128xi32, #tpu.memory_space<hbm>> -> memref<128xi32, #tpu.memory_space<hbm>>
    %dma_start3A_322 = arith.constant 3072 : i32
    %dma_start3A_323 = tpu.memref_slice %arg4[%arg1, %dma_start3A_322] : memref<16x4098xi32, #tpu.memory_space<hbm>> -> memref<1x128xi32, #tpu.memory_space<hbm>>
    %dma_start3A_324 = tpu.memref_squeeze %dma_start3A_323 : memref<1x128xi32, #tpu.memory_space<hbm>> -> memref<128xi32, #tpu.memory_space<hbm>>
    %dma_start3A_325 = arith.constant 3072 : i32
    %dma_start3A_326 = tpu.memref_slice %arg7[%dma_start3A_325] : memref<4096xi32, #tpu.memory_space<vmem>> -> memref<128xi32, #tpu.memory_space<vmem>>
    tpu.enqueue_dma source(%dma_start3A_326 : memref<128xi32, #tpu.memory_space<vmem>>) target(%dma_start3A_324 : memref<128xi32, #tpu.memory_space<hbm>>) target_semaphore(%arg10 : memref<!tpu.dma_semaphore, #tpu.memory_space<semaphore_mem>>)
    %dma_start3A_327 = arith.constant 3200 : i32
    %dma_start3A_328 = tpu.memref_slice %arg7[%dma_start3A_327] : memref<4096xi32, #tpu.memory_space<vmem>> -> memref<128xi32, #tpu.memory_space<vmem>>
    %dma_start3A_329 = arith.constant 3200 : i32
    %dma_start3A_330 = tpu.memref_slice %arg4[%arg1, %dma_start3A_329] : memref<16x4098xi32, #tpu.memory_space<hbm>> -> memref<1x128xi32, #tpu.memory_space<hbm>>
    %dma_start3A_331 = tpu.memref_squeeze %dma_start3A_330 : memref<1x128xi32, #tpu.memory_space<hbm>> -> memref<128xi32, #tpu.memory_space<hbm>>
    %dma_start3A_332 = arith.constant 3200 : i32
    %dma_start3A_333 = tpu.memref_slice %arg4[%arg1, %dma_start3A_332] : memref<16x4098xi32, #tpu.memory_space<hbm>> -> memref<1x128xi32, #tpu.memory_space<hbm>>
    %dma_start3A_334 = tpu.memref_squeeze %dma_start3A_333 : memref<1x128xi32, #tpu.memory_space<hbm>> -> memref<128xi32, #tpu.memory_space<hbm>>
    %dma_start3A_335 = arith.constant 3200 : i32
    %dma_start3A_336 = tpu.memref_slice %arg7[%dma_start3A_335] : memref<4096xi32, #tpu.memory_space<vmem>> -> memref<128xi32, #tpu.memory_space<vmem>>
    tpu.enqueue_dma source(%dma_start3A_336 : memref<128xi32, #tpu.memory_space<vmem>>) target(%dma_start3A_334 : memref<128xi32, #tpu.memory_space<hbm>>) target_semaphore(%arg10 : memref<!tpu.dma_semaphore, #tpu.memory_space<semaphore_mem>>)
    %dma_start3A_337 = arith.constant 3328 : i32
    %dma_start3A_338 = tpu.memref_slice %arg7[%dma_start3A_337] : memref<4096xi32, #tpu.memory_space<vmem>> -> memref<128xi32, #tpu.memory_space<vmem>>
    %dma_start3A_339 = arith.constant 3328 : i32
    %dma_start3A_340 = tpu.memref_slice %arg4[%arg1, %dma_start3A_339] : memref<16x4098xi32, #tpu.memory_space<hbm>> -> memref<1x128xi32, #tpu.memory_space<hbm>>
    %dma_start3A_341 = tpu.memref_squeeze %dma_start3A_340 : memref<1x128xi32, #tpu.memory_space<hbm>> -> memref<128xi32, #tpu.memory_space<hbm>>
    %dma_start3A_342 = arith.constant 3328 : i32
    %dma_start3A_343 = tpu.memref_slice %arg4[%arg1, %dma_start3A_342] : memref<16x4098xi32, #tpu.memory_space<hbm>> -> memref<1x128xi32, #tpu.memory_space<hbm>>
    %dma_start3A_344 = tpu.memref_squeeze %dma_start3A_343 : memref<1x128xi32, #tpu.memory_space<hbm>> -> memref<128xi32, #tpu.memory_space<hbm>>
    %dma_start3A_345 = arith.constant 3328 : i32
    %dma_start3A_346 = tpu.memref_slice %arg7[%dma_start3A_345] : memref<4096xi32, #tpu.memory_space<vmem>> -> memref<128xi32, #tpu.memory_space<vmem>>
    tpu.enqueue_dma source(%dma_start3A_346 : memref<128xi32, #tpu.memory_space<vmem>>) target(%dma_start3A_344 : memref<128xi32, #tpu.memory_space<hbm>>) target_semaphore(%arg10 : memref<!tpu.dma_semaphore, #tpu.memory_space<semaphore_mem>>)
    %dma_start3A_347 = arith.constant 3456 : i32
    %dma_start3A_348 = tpu.memref_slice %arg7[%dma_start3A_347] : memref<4096xi32, #tpu.memory_space<vmem>> -> memref<128xi32, #tpu.memory_space<vmem>>
    %dma_start3A_349 = arith.constant 3456 : i32
    %dma_start3A_350 = tpu.memref_slice %arg4[%arg1, %dma_start3A_349] : memref<16x4098xi32, #tpu.memory_space<hbm>> -> memref<1x128xi32, #tpu.memory_space<hbm>>
    %dma_start3A_351 = tpu.memref_squeeze %dma_start3A_350 : memref<1x128xi32, #tpu.memory_space<hbm>> -> memref<128xi32, #tpu.memory_space<hbm>>
    %dma_start3A_352 = arith.constant 3456 : i32
    %dma_start3A_353 = tpu.memref_slice %arg4[%arg1, %dma_start3A_352] : memref<16x4098xi32, #tpu.memory_space<hbm>> -> memref<1x128xi32, #tpu.memory_space<hbm>>
    %dma_start3A_354 = tpu.memref_squeeze %dma_start3A_353 : memref<1x128xi32, #tpu.memory_space<hbm>> -> memref<128xi32, #tpu.memory_space<hbm>>
    %dma_start3A_355 = arith.constant 3456 : i32
    %dma_start3A_356 = tpu.memref_slice %arg7[%dma_start3A_355] : memref<4096xi32, #tpu.memory_space<vmem>> -> memref<128xi32, #tpu.memory_space<vmem>>
    tpu.enqueue_dma source(%dma_start3A_356 : memref<128xi32, #tpu.memory_space<vmem>>) target(%dma_start3A_354 : memref<128xi32, #tpu.memory_space<hbm>>) target_semaphore(%arg10 : memref<!tpu.dma_semaphore, #tpu.memory_space<semaphore_mem>>)
    %dma_start3A_357 = arith.constant 3584 : i32
    %dma_start3A_358 = tpu.memref_slice %arg7[%dma_start3A_357] : memref<4096xi32, #tpu.memory_space<vmem>> -> memref<128xi32, #tpu.memory_space<vmem>>
    %dma_start3A_359 = arith.constant 3584 : i32
    %dma_start3A_360 = tpu.memref_slice %arg4[%arg1, %dma_start3A_359] : memref<16x4098xi32, #tpu.memory_space<hbm>> -> memref<1x128xi32, #tpu.memory_space<hbm>>
    %dma_start3A_361 = tpu.memref_squeeze %dma_start3A_360 : memref<1x128xi32, #tpu.memory_space<hbm>> -> memref<128xi32, #tpu.memory_space<hbm>>
    %dma_start3A_362 = arith.constant 3584 : i32
    %dma_start3A_363 = tpu.memref_slice %arg4[%arg1, %dma_start3A_362] : memref<16x4098xi32, #tpu.memory_space<hbm>> -> memref<1x128xi32, #tpu.memory_space<hbm>>
    %dma_start3A_364 = tpu.memref_squeeze %dma_start3A_363 : memref<1x128xi32, #tpu.memory_space<hbm>> -> memref<128xi32, #tpu.memory_space<hbm>>
    %dma_start3A_365 = arith.constant 3584 : i32
    %dma_start3A_366 = tpu.memref_slice %arg7[%dma_start3A_365] : memref<4096xi32, #tpu.memory_space<vmem>> -> memref<128xi32, #tpu.memory_space<vmem>>
    tpu.enqueue_dma source(%dma_start3A_366 : memref<128xi32, #tpu.memory_space<vmem>>) target(%dma_start3A_364 : memref<128xi32, #tpu.memory_space<hbm>>) target_semaphore(%arg10 : memref<!tpu.dma_semaphore, #tpu.memory_space<semaphore_mem>>)
    %dma_start3A_367 = arith.constant 3712 : i32
    %dma_start3A_368 = tpu.memref_slice %arg7[%dma_start3A_367] : memref<4096xi32, #tpu.memory_space<vmem>> -> memref<128xi32, #tpu.memory_space<vmem>>
    %dma_start3A_369 = arith.constant 3712 : i32
    %dma_start3A_370 = tpu.memref_slice %arg4[%arg1, %dma_start3A_369] : memref<16x4098xi32, #tpu.memory_space<hbm>> -> memref<1x128xi32, #tpu.memory_space<hbm>>
    %dma_start3A_371 = tpu.memref_squeeze %dma_start3A_370 : memref<1x128xi32, #tpu.memory_space<hbm>> -> memref<128xi32, #tpu.memory_space<hbm>>
    %dma_start3A_372 = arith.constant 3712 : i32
    %dma_start3A_373 = tpu.memref_slice %arg4[%arg1, %dma_start3A_372] : memref<16x4098xi32, #tpu.memory_space<hbm>> -> memref<1x128xi32, #tpu.memory_space<hbm>>
    %dma_start3A_374 = tpu.memref_squeeze %dma_start3A_373 : memref<1x128xi32, #tpu.memory_space<hbm>> -> memref<128xi32, #tpu.memory_space<hbm>>
    %dma_start3A_375 = arith.constant 3712 : i32
    %dma_start3A_376 = tpu.memref_slice %arg7[%dma_start3A_375] : memref<4096xi32, #tpu.memory_space<vmem>> -> memref<128xi32, #tpu.memory_space<vmem>>
    tpu.enqueue_dma source(%dma_start3A_376 : memref<128xi32, #tpu.memory_space<vmem>>) target(%dma_start3A_374 : memref<128xi32, #tpu.memory_space<hbm>>) target_semaphore(%arg10 : memref<!tpu.dma_semaphore, #tpu.memory_space<semaphore_mem>>)
    %dma_start3A_377 = arith.constant 3840 : i32
    %dma_start3A_378 = tpu.memref_slice %arg7[%dma_start3A_377] : memref<4096xi32, #tpu.memory_space<vmem>> -> memref<128xi32, #tpu.memory_space<vmem>>
    %dma_start3A_379 = arith.constant 3840 : i32
    %dma_start3A_380 = tpu.memref_slice %arg4[%arg1, %dma_start3A_379] : memref<16x4098xi32, #tpu.memory_space<hbm>> -> memref<1x128xi32, #tpu.memory_space<hbm>>
    %dma_start3A_381 = tpu.memref_squeeze %dma_start3A_380 : memref<1x128xi32, #tpu.memory_space<hbm>> -> memref<128xi32, #tpu.memory_space<hbm>>
    %dma_start3A_382 = arith.constant 3840 : i32
    %dma_start3A_383 = tpu.memref_slice %arg4[%arg1, %dma_start3A_382] : memref<16x4098xi32, #tpu.memory_space<hbm>> -> memref<1x128xi32, #tpu.memory_space<hbm>>
    %dma_start3A_384 = tpu.memref_squeeze %dma_start3A_383 : memref<1x128xi32, #tpu.memory_space<hbm>> -> memref<128xi32, #tpu.memory_space<hbm>>
    %dma_start3A_385 = arith.constant 3840 : i32
    %dma_start3A_386 = tpu.memref_slice %arg7[%dma_start3A_385] : memref<4096xi32, #tpu.memory_space<vmem>> -> memref<128xi32, #tpu.memory_space<vmem>>
    tpu.enqueue_dma source(%dma_start3A_386 : memref<128xi32, #tpu.memory_space<vmem>>) target(%dma_start3A_384 : memref<128xi32, #tpu.memory_space<hbm>>) target_semaphore(%arg10 : memref<!tpu.dma_semaphore, #tpu.memory_space<semaphore_mem>>)
    %dma_start3A_387 = arith.constant 3968 : i32
    %dma_start3A_388 = tpu.memref_slice %arg7[%dma_start3A_387] : memref<4096xi32, #tpu.memory_space<vmem>> -> memref<128xi32, #tpu.memory_space<vmem>>
    %dma_start3A_389 = arith.constant 3968 : i32
    %dma_start3A_390 = tpu.memref_slice %arg4[%arg1, %dma_start3A_389] : memref<16x4098xi32, #tpu.memory_space<hbm>> -> memref<1x128xi32, #tpu.memory_space<hbm>>
    %dma_start3A_391 = tpu.memref_squeeze %dma_start3A_390 : memref<1x128xi32, #tpu.memory_space<hbm>> -> memref<128xi32, #tpu.memory_space<hbm>>
    %dma_start3A_392 = arith.constant 3968 : i32
    %dma_start3A_393 = tpu.memref_slice %arg4[%arg1, %dma_start3A_392] : memref<16x4098xi32, #tpu.memory_space<hbm>> -> memref<1x128xi32, #tpu.memory_space<hbm>>
    %dma_start3A_394 = tpu.memref_squeeze %dma_start3A_393 : memref<1x128xi32, #tpu.memory_space<hbm>> -> memref<128xi32, #tpu.memory_space<hbm>>
    %dma_start3A_395 = arith.constant 3968 : i32
    %dma_start3A_396 = tpu.memref_slice %arg7[%dma_start3A_395] : memref<4096xi32, #tpu.memory_space<vmem>> -> memref<128xi32, #tpu.memory_space<vmem>>
    tpu.enqueue_dma source(%dma_start3A_396 : memref<128xi32, #tpu.memory_space<vmem>>) target(%dma_start3A_394 : memref<128xi32, #tpu.memory_space<hbm>>) target_semaphore(%arg10 : memref<!tpu.dma_semaphore, #tpu.memory_space<semaphore_mem>>)
    %dma_wait3A_397 = arith.constant 0 : i32
    %dma_wait3A_398 = tpu.memref_slice %arg7[%dma_wait3A_397] : memref<4096xi32, #tpu.memory_space<vmem>> -> memref<128xi32, #tpu.memory_space<vmem>>
    %dma_wait3A_399 = arith.constant 0 : i32
    %dma_wait3A_400 = tpu.memref_slice %arg4[%arg1, %dma_wait3A_399] : memref<16x4098xi32, #tpu.memory_space<hbm>> -> memref<1x128xi32, #tpu.memory_space<hbm>>
    %dma_wait3A_401 = tpu.memref_squeeze %dma_wait3A_400 : memref<1x128xi32, #tpu.memory_space<hbm>> -> memref<128xi32, #tpu.memory_space<hbm>>
    %dma_wait3A_402 = arith.constant 0 : i32
    %dma_wait3A_403 = tpu.memref_slice %arg4[%arg1, %dma_wait3A_402] : memref<16x4098xi32, #tpu.memory_space<hbm>> -> memref<1x128xi32, #tpu.memory_space<hbm>>
    %dma_wait3A_404 = tpu.memref_squeeze %dma_wait3A_403 : memref<1x128xi32, #tpu.memory_space<hbm>> -> memref<128xi32, #tpu.memory_space<hbm>>
    %dma_wait3A_405 = arith.constant 0 : i32
    %dma_wait3A_406 = tpu.memref_slice %arg7[%dma_wait3A_405] : memref<4096xi32, #tpu.memory_space<vmem>> -> memref<128xi32, #tpu.memory_space<vmem>>
    tpu.wait_dma2 semaphore(%arg10 : memref<!tpu.dma_semaphore, #tpu.memory_space<semaphore_mem>>) src(%dma_wait3A_406 : memref<128xi32, #tpu.memory_space<vmem>>) dst(%dma_wait3A_404 : memref<128xi32, #tpu.memory_space<hbm>>)
    %dma_wait3A_407 = arith.constant 128 : i32
    %dma_wait3A_408 = tpu.memref_slice %arg7[%dma_wait3A_407] : memref<4096xi32, #tpu.memory_space<vmem>> -> memref<128xi32, #tpu.memory_space<vmem>>
    %dma_wait3A_409 = arith.constant 128 : i32
    %dma_wait3A_410 = tpu.memref_slice %arg4[%arg1, %dma_wait3A_409] : memref<16x4098xi32, #tpu.memory_space<hbm>> -> memref<1x128xi32, #tpu.memory_space<hbm>>
    %dma_wait3A_411 = tpu.memref_squeeze %dma_wait3A_410 : memref<1x128xi32, #tpu.memory_space<hbm>> -> memref<128xi32, #tpu.memory_space<hbm>>
    %dma_wait3A_412 = arith.constant 128 : i32
    %dma_wait3A_413 = tpu.memref_slice %arg4[%arg1, %dma_wait3A_412] : memref<16x4098xi32, #tpu.memory_space<hbm>> -> memref<1x128xi32, #tpu.memory_space<hbm>>
    %dma_wait3A_414 = tpu.memref_squeeze %dma_wait3A_413 : memref<1x128xi32, #tpu.memory_space<hbm>> -> memref<128xi32, #tpu.memory_space<hbm>>
    %dma_wait3A_415 = arith.constant 128 : i32
    %dma_wait3A_416 = tpu.memref_slice %arg7[%dma_wait3A_415] : memref<4096xi32, #tpu.memory_space<vmem>> -> memref<128xi32, #tpu.memory_space<vmem>>
    tpu.wait_dma2 semaphore(%arg10 : memref<!tpu.dma_semaphore, #tpu.memory_space<semaphore_mem>>) src(%dma_wait3A_416 : memref<128xi32, #tpu.memory_space<vmem>>) dst(%dma_wait3A_414 : memref<128xi32, #tpu.memory_space<hbm>>)
    %dma_wait3A_417 = arith.constant 256 : i32
    %dma_wait3A_418 = tpu.memref_slice %arg7[%dma_wait3A_417] : memref<4096xi32, #tpu.memory_space<vmem>> -> memref<128xi32, #tpu.memory_space<vmem>>
    %dma_wait3A_419 = arith.constant 256 : i32
    %dma_wait3A_420 = tpu.memref_slice %arg4[%arg1, %dma_wait3A_419] : memref<16x4098xi32, #tpu.memory_space<hbm>> -> memref<1x128xi32, #tpu.memory_space<hbm>>
    %dma_wait3A_421 = tpu.memref_squeeze %dma_wait3A_420 : memref<1x128xi32, #tpu.memory_space<hbm>> -> memref<128xi32, #tpu.memory_space<hbm>>
    %dma_wait3A_422 = arith.constant 256 : i32
    %dma_wait3A_423 = tpu.memref_slice %arg4[%arg1, %dma_wait3A_422] : memref<16x4098xi32, #tpu.memory_space<hbm>> -> memref<1x128xi32, #tpu.memory_space<hbm>>
    %dma_wait3A_424 = tpu.memref_squeeze %dma_wait3A_423 : memref<1x128xi32, #tpu.memory_space<hbm>> -> memref<128xi32, #tpu.memory_space<hbm>>
    %dma_wait3A_425 = arith.constant 256 : i32
    %dma_wait3A_426 = tpu.memref_slice %arg7[%dma_wait3A_425] : memref<4096xi32, #tpu.memory_space<vmem>> -> memref<128xi32, #tpu.memory_space<vmem>>
    tpu.wait_dma2 semaphore(%arg10 : memref<!tpu.dma_semaphore, #tpu.memory_space<semaphore_mem>>) src(%dma_wait3A_426 : memref<128xi32, #tpu.memory_space<vmem>>) dst(%dma_wait3A_424 : memref<128xi32, #tpu.memory_space<hbm>>)
    %dma_wait3A_427 = arith.constant 384 : i32
    %dma_wait3A_428 = tpu.memref_slice %arg7[%dma_wait3A_427] : memref<4096xi32, #tpu.memory_space<vmem>> -> memref<128xi32, #tpu.memory_space<vmem>>
    %dma_wait3A_429 = arith.constant 384 : i32
    %dma_wait3A_430 = tpu.memref_slice %arg4[%arg1, %dma_wait3A_429] : memref<16x4098xi32, #tpu.memory_space<hbm>> -> memref<1x128xi32, #tpu.memory_space<hbm>>
    %dma_wait3A_431 = tpu.memref_squeeze %dma_wait3A_430 : memref<1x128xi32, #tpu.memory_space<hbm>> -> memref<128xi32, #tpu.memory_space<hbm>>
    %dma_wait3A_432 = arith.constant 384 : i32
    %dma_wait3A_433 = tpu.memref_slice %arg4[%arg1, %dma_wait3A_432] : memref<16x4098xi32, #tpu.memory_space<hbm>> -> memref<1x128xi32, #tpu.memory_space<hbm>>
    %dma_wait3A_434 = tpu.memref_squeeze %dma_wait3A_433 : memref<1x128xi32, #tpu.memory_space<hbm>> -> memref<128xi32, #tpu.memory_space<hbm>>
    %dma_wait3A_435 = arith.constant 384 : i32
    %dma_wait3A_436 = tpu.memref_slice %arg7[%dma_wait3A_435] : memref<4096xi32, #tpu.memory_space<vmem>> -> memref<128xi32, #tpu.memory_space<vmem>>
    tpu.wait_dma2 semaphore(%arg10 : memref<!tpu.dma_semaphore, #tpu.memory_space<semaphore_mem>>) src(%dma_wait3A_436 : memref<128xi32, #tpu.memory_space<vmem>>) dst(%dma_wait3A_434 : memref<128xi32, #tpu.memory_space<hbm>>)
    %dma_wait3A_437 = arith.constant 512 : i32
    %dma_wait3A_438 = tpu.memref_slice %arg7[%dma_wait3A_437] : memref<4096xi32, #tpu.memory_space<vmem>> -> memref<128xi32, #tpu.memory_space<vmem>>
    %dma_wait3A_439 = arith.constant 512 : i32
    %dma_wait3A_440 = tpu.memref_slice %arg4[%arg1, %dma_wait3A_439] : memref<16x4098xi32, #tpu.memory_space<hbm>> -> memref<1x128xi32, #tpu.memory_space<hbm>>
    %dma_wait3A_441 = tpu.memref_squeeze %dma_wait3A_440 : memref<1x128xi32, #tpu.memory_space<hbm>> -> memref<128xi32, #tpu.memory_space<hbm>>
    %dma_wait3A_442 = arith.constant 512 : i32
    %dma_wait3A_443 = tpu.memref_slice %arg4[%arg1, %dma_wait3A_442] : memref<16x4098xi32, #tpu.memory_space<hbm>> -> memref<1x128xi32, #tpu.memory_space<hbm>>
    %dma_wait3A_444 = tpu.memref_squeeze %dma_wait3A_443 : memref<1x128xi32, #tpu.memory_space<hbm>> -> memref<128xi32, #tpu.memory_space<hbm>>
    %dma_wait3A_445 = arith.constant 512 : i32
    %dma_wait3A_446 = tpu.memref_slice %arg7[%dma_wait3A_445] : memref<4096xi32, #tpu.memory_space<vmem>> -> memref<128xi32, #tpu.memory_space<vmem>>
    tpu.wait_dma2 semaphore(%arg10 : memref<!tpu.dma_semaphore, #tpu.memory_space<semaphore_mem>>) src(%dma_wait3A_446 : memref<128xi32, #tpu.memory_space<vmem>>) dst(%dma_wait3A_444 : memref<128xi32, #tpu.memory_space<hbm>>)
    %dma_wait3A_447 = arith.constant 640 : i32
    %dma_wait3A_448 = tpu.memref_slice %arg7[%dma_wait3A_447] : memref<4096xi32, #tpu.memory_space<vmem>> -> memref<128xi32, #tpu.memory_space<vmem>>
    %dma_wait3A_449 = arith.constant 640 : i32
    %dma_wait3A_450 = tpu.memref_slice %arg4[%arg1, %dma_wait3A_449] : memref<16x4098xi32, #tpu.memory_space<hbm>> -> memref<1x128xi32, #tpu.memory_space<hbm>>
    %dma_wait3A_451 = tpu.memref_squeeze %dma_wait3A_450 : memref<1x128xi32, #tpu.memory_space<hbm>> -> memref<128xi32, #tpu.memory_space<hbm>>
    %dma_wait3A_452 = arith.constant 640 : i32
    %dma_wait3A_453 = tpu.memref_slice %arg4[%arg1, %dma_wait3A_452] : memref<16x4098xi32, #tpu.memory_space<hbm>> -> memref<1x128xi32, #tpu.memory_space<hbm>>
    %dma_wait3A_454 = tpu.memref_squeeze %dma_wait3A_453 : memref<1x128xi32, #tpu.memory_space<hbm>> -> memref<128xi32, #tpu.memory_space<hbm>>
    %dma_wait3A_455 = arith.constant 640 : i32
    %dma_wait3A_456 = tpu.memref_slice %arg7[%dma_wait3A_455] : memref<4096xi32, #tpu.memory_space<vmem>> -> memref<128xi32, #tpu.memory_space<vmem>>
    tpu.wait_dma2 semaphore(%arg10 : memref<!tpu.dma_semaphore, #tpu.memory_space<semaphore_mem>>) src(%dma_wait3A_456 : memref<128xi32, #tpu.memory_space<vmem>>) dst(%dma_wait3A_454 : memref<128xi32, #tpu.memory_space<hbm>>)
    %dma_wait3A_457 = arith.constant 768 : i32
    %dma_wait3A_458 = tpu.memref_slice %arg7[%dma_wait3A_457] : memref<4096xi32, #tpu.memory_space<vmem>> -> memref<128xi32, #tpu.memory_space<vmem>>
    %dma_wait3A_459 = arith.constant 768 : i32
    %dma_wait3A_460 = tpu.memref_slice %arg4[%arg1, %dma_wait3A_459] : memref<16x4098xi32, #tpu.memory_space<hbm>> -> memref<1x128xi32, #tpu.memory_space<hbm>>
    %dma_wait3A_461 = tpu.memref_squeeze %dma_wait3A_460 : memref<1x128xi32, #tpu.memory_space<hbm>> -> memref<128xi32, #tpu.memory_space<hbm>>
    %dma_wait3A_462 = arith.constant 768 : i32
    %dma_wait3A_463 = tpu.memref_slice %arg4[%arg1, %dma_wait3A_462] : memref<16x4098xi32, #tpu.memory_space<hbm>> -> memref<1x128xi32, #tpu.memory_space<hbm>>
    %dma_wait3A_464 = tpu.memref_squeeze %dma_wait3A_463 : memref<1x128xi32, #tpu.memory_space<hbm>> -> memref<128xi32, #tpu.memory_space<hbm>>
    %dma_wait3A_465 = arith.constant 768 : i32
    %dma_wait3A_466 = tpu.memref_slice %arg7[%dma_wait3A_465] : memref<4096xi32, #tpu.memory_space<vmem>> -> memref<128xi32, #tpu.memory_space<vmem>>
    tpu.wait_dma2 semaphore(%arg10 : memref<!tpu.dma_semaphore, #tpu.memory_space<semaphore_mem>>) src(%dma_wait3A_466 : memref<128xi32, #tpu.memory_space<vmem>>) dst(%dma_wait3A_464 : memref<128xi32, #tpu.memory_space<hbm>>)
    %dma_wait3A_467 = arith.constant 896 : i32
    %dma_wait3A_468 = tpu.memref_slice %arg7[%dma_wait3A_467] : memref<4096xi32, #tpu.memory_space<vmem>> -> memref<128xi32, #tpu.memory_space<vmem>>
    %dma_wait3A_469 = arith.constant 896 : i32
    %dma_wait3A_470 = tpu.memref_slice %arg4[%arg1, %dma_wait3A_469] : memref<16x4098xi32, #tpu.memory_space<hbm>> -> memref<1x128xi32, #tpu.memory_space<hbm>>
    %dma_wait3A_471 = tpu.memref_squeeze %dma_wait3A_470 : memref<1x128xi32, #tpu.memory_space<hbm>> -> memref<128xi32, #tpu.memory_space<hbm>>
    %dma_wait3A_472 = arith.constant 896 : i32
    %dma_wait3A_473 = tpu.memref_slice %arg4[%arg1, %dma_wait3A_472] : memref<16x4098xi32, #tpu.memory_space<hbm>> -> memref<1x128xi32, #tpu.memory_space<hbm>>
    %dma_wait3A_474 = tpu.memref_squeeze %dma_wait3A_473 : memref<1x128xi32, #tpu.memory_space<hbm>> -> memref<128xi32, #tpu.memory_space<hbm>>
    %dma_wait3A_475 = arith.constant 896 : i32
    %dma_wait3A_476 = tpu.memref_slice %arg7[%dma_wait3A_475] : memref<4096xi32, #tpu.memory_space<vmem>> -> memref<128xi32, #tpu.memory_space<vmem>>
    tpu.wait_dma2 semaphore(%arg10 : memref<!tpu.dma_semaphore, #tpu.memory_space<semaphore_mem>>) src(%dma_wait3A_476 : memref<128xi32, #tpu.memory_space<vmem>>) dst(%dma_wait3A_474 : memref<128xi32, #tpu.memory_space<hbm>>)
    %dma_wait3A_477 = arith.constant 1024 : i32
    %dma_wait3A_478 = tpu.memref_slice %arg7[%dma_wait3A_477] : memref<4096xi32, #tpu.memory_space<vmem>> -> memref<128xi32, #tpu.memory_space<vmem>>
    %dma_wait3A_479 = arith.constant 1024 : i32
    %dma_wait3A_480 = tpu.memref_slice %arg4[%arg1, %dma_wait3A_479] : memref<16x4098xi32, #tpu.memory_space<hbm>> -> memref<1x128xi32, #tpu.memory_space<hbm>>
    %dma_wait3A_481 = tpu.memref_squeeze %dma_wait3A_480 : memref<1x128xi32, #tpu.memory_space<hbm>> -> memref<128xi32, #tpu.memory_space<hbm>>
    %dma_wait3A_482 = arith.constant 1024 : i32
    %dma_wait3A_483 = tpu.memref_slice %arg4[%arg1, %dma_wait3A_482] : memref<16x4098xi32, #tpu.memory_space<hbm>> -> memref<1x128xi32, #tpu.memory_space<hbm>>
    %dma_wait3A_484 = tpu.memref_squeeze %dma_wait3A_483 : memref<1x128xi32, #tpu.memory_space<hbm>> -> memref<128xi32, #tpu.memory_space<hbm>>
    %dma_wait3A_485 = arith.constant 1024 : i32
    %dma_wait3A_486 = tpu.memref_slice %arg7[%dma_wait3A_485] : memref<4096xi32, #tpu.memory_space<vmem>> -> memref<128xi32, #tpu.memory_space<vmem>>
    tpu.wait_dma2 semaphore(%arg10 : memref<!tpu.dma_semaphore, #tpu.memory_space<semaphore_mem>>) src(%dma_wait3A_486 : memref<128xi32, #tpu.memory_space<vmem>>) dst(%dma_wait3A_484 : memref<128xi32, #tpu.memory_space<hbm>>)
    %dma_wait3A_487 = arith.constant 1152 : i32
    %dma_wait3A_488 = tpu.memref_slice %arg7[%dma_wait3A_487] : memref<4096xi32, #tpu.memory_space<vmem>> -> memref<128xi32, #tpu.memory_space<vmem>>
    %dma_wait3A_489 = arith.constant 1152 : i32
    %dma_wait3A_490 = tpu.memref_slice %arg4[%arg1, %dma_wait3A_489] : memref<16x4098xi32, #tpu.memory_space<hbm>> -> memref<1x128xi32, #tpu.memory_space<hbm>>
    %dma_wait3A_491 = tpu.memref_squeeze %dma_wait3A_490 : memref<1x128xi32, #tpu.memory_space<hbm>> -> memref<128xi32, #tpu.memory_space<hbm>>
    %dma_wait3A_492 = arith.constant 1152 : i32
    %dma_wait3A_493 = tpu.memref_slice %arg4[%arg1, %dma_wait3A_492] : memref<16x4098xi32, #tpu.memory_space<hbm>> -> memref<1x128xi32, #tpu.memory_space<hbm>>
    %dma_wait3A_494 = tpu.memref_squeeze %dma_wait3A_493 : memref<1x128xi32, #tpu.memory_space<hbm>> -> memref<128xi32, #tpu.memory_space<hbm>>
    %dma_wait3A_495 = arith.constant 1152 : i32
    %dma_wait3A_496 = tpu.memref_slice %arg7[%dma_wait3A_495] : memref<4096xi32, #tpu.memory_space<vmem>> -> memref<128xi32, #tpu.memory_space<vmem>>
    tpu.wait_dma2 semaphore(%arg10 : memref<!tpu.dma_semaphore, #tpu.memory_space<semaphore_mem>>) src(%dma_wait3A_496 : memref<128xi32, #tpu.memory_space<vmem>>) dst(%dma_wait3A_494 : memref<128xi32, #tpu.memory_space<hbm>>)
    %dma_wait3A_497 = arith.constant 1280 : i32
    %dma_wait3A_498 = tpu.memref_slice %arg7[%dma_wait3A_497] : memref<4096xi32, #tpu.memory_space<vmem>> -> memref<128xi32, #tpu.memory_space<vmem>>
    %dma_wait3A_499 = arith.constant 1280 : i32
    %dma_wait3A_500 = tpu.memref_slice %arg4[%arg1, %dma_wait3A_499] : memref<16x4098xi32, #tpu.memory_space<hbm>> -> memref<1x128xi32, #tpu.memory_space<hbm>>
    %dma_wait3A_501 = tpu.memref_squeeze %dma_wait3A_500 : memref<1x128xi32, #tpu.memory_space<hbm>> -> memref<128xi32, #tpu.memory_space<hbm>>
    %dma_wait3A_502 = arith.constant 1280 : i32
    %dma_wait3A_503 = tpu.memref_slice %arg4[%arg1, %dma_wait3A_502] : memref<16x4098xi32, #tpu.memory_space<hbm>> -> memref<1x128xi32, #tpu.memory_space<hbm>>
    %dma_wait3A_504 = tpu.memref_squeeze %dma_wait3A_503 : memref<1x128xi32, #tpu.memory_space<hbm>> -> memref<128xi32, #tpu.memory_space<hbm>>
    %dma_wait3A_505 = arith.constant 1280 : i32
    %dma_wait3A_506 = tpu.memref_slice %arg7[%dma_wait3A_505] : memref<4096xi32, #tpu.memory_space<vmem>> -> memref<128xi32, #tpu.memory_space<vmem>>
    tpu.wait_dma2 semaphore(%arg10 : memref<!tpu.dma_semaphore, #tpu.memory_space<semaphore_mem>>) src(%dma_wait3A_506 : memref<128xi32, #tpu.memory_space<vmem>>) dst(%dma_wait3A_504 : memref<128xi32, #tpu.memory_space<hbm>>)
    %dma_wait3A_507 = arith.constant 1408 : i32
    %dma_wait3A_508 = tpu.memref_slice %arg7[%dma_wait3A_507] : memref<4096xi32, #tpu.memory_space<vmem>> -> memref<128xi32, #tpu.memory_space<vmem>>
    %dma_wait3A_509 = arith.constant 1408 : i32
    %dma_wait3A_510 = tpu.memref_slice %arg4[%arg1, %dma_wait3A_509] : memref<16x4098xi32, #tpu.memory_space<hbm>> -> memref<1x128xi32, #tpu.memory_space<hbm>>
    %dma_wait3A_511 = tpu.memref_squeeze %dma_wait3A_510 : memref<1x128xi32, #tpu.memory_space<hbm>> -> memref<128xi32, #tpu.memory_space<hbm>>
    %dma_wait3A_512 = arith.constant 1408 : i32
    %dma_wait3A_513 = tpu.memref_slice %arg4[%arg1, %dma_wait3A_512] : memref<16x4098xi32, #tpu.memory_space<hbm>> -> memref<1x128xi32, #tpu.memory_space<hbm>>
    %dma_wait3A_514 = tpu.memref_squeeze %dma_wait3A_513 : memref<1x128xi32, #tpu.memory_space<hbm>> -> memref<128xi32, #tpu.memory_space<hbm>>
    %dma_wait3A_515 = arith.constant 1408 : i32
    %dma_wait3A_516 = tpu.memref_slice %arg7[%dma_wait3A_515] : memref<4096xi32, #tpu.memory_space<vmem>> -> memref<128xi32, #tpu.memory_space<vmem>>
    tpu.wait_dma2 semaphore(%arg10 : memref<!tpu.dma_semaphore, #tpu.memory_space<semaphore_mem>>) src(%dma_wait3A_516 : memref<128xi32, #tpu.memory_space<vmem>>) dst(%dma_wait3A_514 : memref<128xi32, #tpu.memory_space<hbm>>)
    %dma_wait3A_517 = arith.constant 1536 : i32
    %dma_wait3A_518 = tpu.memref_slice %arg7[%dma_wait3A_517] : memref<4096xi32, #tpu.memory_space<vmem>> -> memref<128xi32, #tpu.memory_space<vmem>>
    %dma_wait3A_519 = arith.constant 1536 : i32
    %dma_wait3A_520 = tpu.memref_slice %arg4[%arg1, %dma_wait3A_519] : memref<16x4098xi32, #tpu.memory_space<hbm>> -> memref<1x128xi32, #tpu.memory_space<hbm>>
    %dma_wait3A_521 = tpu.memref_squeeze %dma_wait3A_520 : memref<1x128xi32, #tpu.memory_space<hbm>> -> memref<128xi32, #tpu.memory_space<hbm>>
    %dma_wait3A_522 = arith.constant 1536 : i32
    %dma_wait3A_523 = tpu.memref_slice %arg4[%arg1, %dma_wait3A_522] : memref<16x4098xi32, #tpu.memory_space<hbm>> -> memref<1x128xi32, #tpu.memory_space<hbm>>
    %dma_wait3A_524 = tpu.memref_squeeze %dma_wait3A_523 : memref<1x128xi32, #tpu.memory_space<hbm>> -> memref<128xi32, #tpu.memory_space<hbm>>
    %dma_wait3A_525 = arith.constant 1536 : i32
    %dma_wait3A_526 = tpu.memref_slice %arg7[%dma_wait3A_525] : memref<4096xi32, #tpu.memory_space<vmem>> -> memref<128xi32, #tpu.memory_space<vmem>>
    tpu.wait_dma2 semaphore(%arg10 : memref<!tpu.dma_semaphore, #tpu.memory_space<semaphore_mem>>) src(%dma_wait3A_526 : memref<128xi32, #tpu.memory_space<vmem>>) dst(%dma_wait3A_524 : memref<128xi32, #tpu.memory_space<hbm>>)
    %dma_wait3A_527 = arith.constant 1664 : i32
    %dma_wait3A_528 = tpu.memref_slice %arg7[%dma_wait3A_527] : memref<4096xi32, #tpu.memory_space<vmem>> -> memref<128xi32, #tpu.memory_space<vmem>>
    %dma_wait3A_529 = arith.constant 1664 : i32
    %dma_wait3A_530 = tpu.memref_slice %arg4[%arg1, %dma_wait3A_529] : memref<16x4098xi32, #tpu.memory_space<hbm>> -> memref<1x128xi32, #tpu.memory_space<hbm>>
    %dma_wait3A_531 = tpu.memref_squeeze %dma_wait3A_530 : memref<1x128xi32, #tpu.memory_space<hbm>> -> memref<128xi32, #tpu.memory_space<hbm>>
    %dma_wait3A_532 = arith.constant 1664 : i32
    %dma_wait3A_533 = tpu.memref_slice %arg4[%arg1, %dma_wait3A_532] : memref<16x4098xi32, #tpu.memory_space<hbm>> -> memref<1x128xi32, #tpu.memory_space<hbm>>
    %dma_wait3A_534 = tpu.memref_squeeze %dma_wait3A_533 : memref<1x128xi32, #tpu.memory_space<hbm>> -> memref<128xi32, #tpu.memory_space<hbm>>
    %dma_wait3A_535 = arith.constant 1664 : i32
    %dma_wait3A_536 = tpu.memref_slice %arg7[%dma_wait3A_535] : memref<4096xi32, #tpu.memory_space<vmem>> -> memref<128xi32, #tpu.memory_space<vmem>>
    tpu.wait_dma2 semaphore(%arg10 : memref<!tpu.dma_semaphore, #tpu.memory_space<semaphore_mem>>) src(%dma_wait3A_536 : memref<128xi32, #tpu.memory_space<vmem>>) dst(%dma_wait3A_534 : memref<128xi32, #tpu.memory_space<hbm>>)
    %dma_wait3A_537 = arith.constant 1792 : i32
    %dma_wait3A_538 = tpu.memref_slice %arg7[%dma_wait3A_537] : memref<4096xi32, #tpu.memory_space<vmem>> -> memref<128xi32, #tpu.memory_space<vmem>>
    %dma_wait3A_539 = arith.constant 1792 : i32
    %dma_wait3A_540 = tpu.memref_slice %arg4[%arg1, %dma_wait3A_539] : memref<16x4098xi32, #tpu.memory_space<hbm>> -> memref<1x128xi32, #tpu.memory_space<hbm>>
    %dma_wait3A_541 = tpu.memref_squeeze %dma_wait3A_540 : memref<1x128xi32, #tpu.memory_space<hbm>> -> memref<128xi32, #tpu.memory_space<hbm>>
    %dma_wait3A_542 = arith.constant 1792 : i32
    %dma_wait3A_543 = tpu.memref_slice %arg4[%arg1, %dma_wait3A_542] : memref<16x4098xi32, #tpu.memory_space<hbm>> -> memref<1x128xi32, #tpu.memory_space<hbm>>
    %dma_wait3A_544 = tpu.memref_squeeze %dma_wait3A_543 : memref<1x128xi32, #tpu.memory_space<hbm>> -> memref<128xi32, #tpu.memory_space<hbm>>
    %dma_wait3A_545 = arith.constant 1792 : i32
    %dma_wait3A_546 = tpu.memref_slice %arg7[%dma_wait3A_545] : memref<4096xi32, #tpu.memory_space<vmem>> -> memref<128xi32, #tpu.memory_space<vmem>>
    tpu.wait_dma2 semaphore(%arg10 : memref<!tpu.dma_semaphore, #tpu.memory_space<semaphore_mem>>) src(%dma_wait3A_546 : memref<128xi32, #tpu.memory_space<vmem>>) dst(%dma_wait3A_544 : memref<128xi32, #tpu.memory_space<hbm>>)
    %dma_wait3A_547 = arith.constant 1920 : i32
    %dma_wait3A_548 = tpu.memref_slice %arg7[%dma_wait3A_547] : memref<4096xi32, #tpu.memory_space<vmem>> -> memref<128xi32, #tpu.memory_space<vmem>>
    %dma_wait3A_549 = arith.constant 1920 : i32
    %dma_wait3A_550 = tpu.memref_slice %arg4[%arg1, %dma_wait3A_549] : memref<16x4098xi32, #tpu.memory_space<hbm>> -> memref<1x128xi32, #tpu.memory_space<hbm>>
    %dma_wait3A_551 = tpu.memref_squeeze %dma_wait3A_550 : memref<1x128xi32, #tpu.memory_space<hbm>> -> memref<128xi32, #tpu.memory_space<hbm>>
    %dma_wait3A_552 = arith.constant 1920 : i32
    %dma_wait3A_553 = tpu.memref_slice %arg4[%arg1, %dma_wait3A_552] : memref<16x4098xi32, #tpu.memory_space<hbm>> -> memref<1x128xi32, #tpu.memory_space<hbm>>
    %dma_wait3A_554 = tpu.memref_squeeze %dma_wait3A_553 : memref<1x128xi32, #tpu.memory_space<hbm>> -> memref<128xi32, #tpu.memory_space<hbm>>
    %dma_wait3A_555 = arith.constant 1920 : i32
    %dma_wait3A_556 = tpu.memref_slice %arg7[%dma_wait3A_555] : memref<4096xi32, #tpu.memory_space<vmem>> -> memref<128xi32, #tpu.memory_space<vmem>>
    tpu.wait_dma2 semaphore(%arg10 : memref<!tpu.dma_semaphore, #tpu.memory_space<semaphore_mem>>) src(%dma_wait3A_556 : memref<128xi32, #tpu.memory_space<vmem>>) dst(%dma_wait3A_554 : memref<128xi32, #tpu.memory_space<hbm>>)
    %dma_wait3A_557 = arith.constant 2048 : i32
    %dma_wait3A_558 = tpu.memref_slice %arg7[%dma_wait3A_557] : memref<4096xi32, #tpu.memory_space<vmem>> -> memref<128xi32, #tpu.memory_space<vmem>>
    %dma_wait3A_559 = arith.constant 2048 : i32
    %dma_wait3A_560 = tpu.memref_slice %arg4[%arg1, %dma_wait3A_559] : memref<16x4098xi32, #tpu.memory_space<hbm>> -> memref<1x128xi32, #tpu.memory_space<hbm>>
    %dma_wait3A_561 = tpu.memref_squeeze %dma_wait3A_560 : memref<1x128xi32, #tpu.memory_space<hbm>> -> memref<128xi32, #tpu.memory_space<hbm>>
    %dma_wait3A_562 = arith.constant 2048 : i32
    %dma_wait3A_563 = tpu.memref_slice %arg4[%arg1, %dma_wait3A_562] : memref<16x4098xi32, #tpu.memory_space<hbm>> -> memref<1x128xi32, #tpu.memory_space<hbm>>
    %dma_wait3A_564 = tpu.memref_squeeze %dma_wait3A_563 : memref<1x128xi32, #tpu.memory_space<hbm>> -> memref<128xi32, #tpu.memory_space<hbm>>
    %dma_wait3A_565 = arith.constant 2048 : i32
    %dma_wait3A_566 = tpu.memref_slice %arg7[%dma_wait3A_565] : memref<4096xi32, #tpu.memory_space<vmem>> -> memref<128xi32, #tpu.memory_space<vmem>>
    tpu.wait_dma2 semaphore(%arg10 : memref<!tpu.dma_semaphore, #tpu.memory_space<semaphore_mem>>) src(%dma_wait3A_566 : memref<128xi32, #tpu.memory_space<vmem>>) dst(%dma_wait3A_564 : memref<128xi32, #tpu.memory_space<hbm>>)
    %dma_wait3A_567 = arith.constant 2176 : i32
    %dma_wait3A_568 = tpu.memref_slice %arg7[%dma_wait3A_567] : memref<4096xi32, #tpu.memory_space<vmem>> -> memref<128xi32, #tpu.memory_space<vmem>>
    %dma_wait3A_569 = arith.constant 2176 : i32
    %dma_wait3A_570 = tpu.memref_slice %arg4[%arg1, %dma_wait3A_569] : memref<16x4098xi32, #tpu.memory_space<hbm>> -> memref<1x128xi32, #tpu.memory_space<hbm>>
    %dma_wait3A_571 = tpu.memref_squeeze %dma_wait3A_570 : memref<1x128xi32, #tpu.memory_space<hbm>> -> memref<128xi32, #tpu.memory_space<hbm>>
    %dma_wait3A_572 = arith.constant 2176 : i32
    %dma_wait3A_573 = tpu.memref_slice %arg4[%arg1, %dma_wait3A_572] : memref<16x4098xi32, #tpu.memory_space<hbm>> -> memref<1x128xi32, #tpu.memory_space<hbm>>
    %dma_wait3A_574 = tpu.memref_squeeze %dma_wait3A_573 : memref<1x128xi32, #tpu.memory_space<hbm>> -> memref<128xi32, #tpu.memory_space<hbm>>
    %dma_wait3A_575 = arith.constant 2176 : i32
    %dma_wait3A_576 = tpu.memref_slice %arg7[%dma_wait3A_575] : memref<4096xi32, #tpu.memory_space<vmem>> -> memref<128xi32, #tpu.memory_space<vmem>>
    tpu.wait_dma2 semaphore(%arg10 : memref<!tpu.dma_semaphore, #tpu.memory_space<semaphore_mem>>) src(%dma_wait3A_576 : memref<128xi32, #tpu.memory_space<vmem>>) dst(%dma_wait3A_574 : memref<128xi32, #tpu.memory_space<hbm>>)
    %dma_wait3A_577 = arith.constant 2304 : i32
    %dma_wait3A_578 = tpu.memref_slice %arg7[%dma_wait3A_577] : memref<4096xi32, #tpu.memory_space<vmem>> -> memref<128xi32, #tpu.memory_space<vmem>>
    %dma_wait3A_579 = arith.constant 2304 : i32
    %dma_wait3A_580 = tpu.memref_slice %arg4[%arg1, %dma_wait3A_579] : memref<16x4098xi32, #tpu.memory_space<hbm>> -> memref<1x128xi32, #tpu.memory_space<hbm>>
    %dma_wait3A_581 = tpu.memref_squeeze %dma_wait3A_580 : memref<1x128xi32, #tpu.memory_space<hbm>> -> memref<128xi32, #tpu.memory_space<hbm>>
    %dma_wait3A_582 = arith.constant 2304 : i32
    %dma_wait3A_583 = tpu.memref_slice %arg4[%arg1, %dma_wait3A_582] : memref<16x4098xi32, #tpu.memory_space<hbm>> -> memref<1x128xi32, #tpu.memory_space<hbm>>
    %dma_wait3A_584 = tpu.memref_squeeze %dma_wait3A_583 : memref<1x128xi32, #tpu.memory_space<hbm>> -> memref<128xi32, #tpu.memory_space<hbm>>
    %dma_wait3A_585 = arith.constant 2304 : i32
    %dma_wait3A_586 = tpu.memref_slice %arg7[%dma_wait3A_585] : memref<4096xi32, #tpu.memory_space<vmem>> -> memref<128xi32, #tpu.memory_space<vmem>>
    tpu.wait_dma2 semaphore(%arg10 : memref<!tpu.dma_semaphore, #tpu.memory_space<semaphore_mem>>) src(%dma_wait3A_586 : memref<128xi32, #tpu.memory_space<vmem>>) dst(%dma_wait3A_584 : memref<128xi32, #tpu.memory_space<hbm>>)
    %dma_wait3A_587 = arith.constant 2432 : i32
    %dma_wait3A_588 = tpu.memref_slice %arg7[%dma_wait3A_587] : memref<4096xi32, #tpu.memory_space<vmem>> -> memref<128xi32, #tpu.memory_space<vmem>>
    %dma_wait3A_589 = arith.constant 2432 : i32
    %dma_wait3A_590 = tpu.memref_slice %arg4[%arg1, %dma_wait3A_589] : memref<16x4098xi32, #tpu.memory_space<hbm>> -> memref<1x128xi32, #tpu.memory_space<hbm>>
    %dma_wait3A_591 = tpu.memref_squeeze %dma_wait3A_590 : memref<1x128xi32, #tpu.memory_space<hbm>> -> memref<128xi32, #tpu.memory_space<hbm>>
    %dma_wait3A_592 = arith.constant 2432 : i32
    %dma_wait3A_593 = tpu.memref_slice %arg4[%arg1, %dma_wait3A_592] : memref<16x4098xi32, #tpu.memory_space<hbm>> -> memref<1x128xi32, #tpu.memory_space<hbm>>
    %dma_wait3A_594 = tpu.memref_squeeze %dma_wait3A_593 : memref<1x128xi32, #tpu.memory_space<hbm>> -> memref<128xi32, #tpu.memory_space<hbm>>
    %dma_wait3A_595 = arith.constant 2432 : i32
    %dma_wait3A_596 = tpu.memref_slice %arg7[%dma_wait3A_595] : memref<4096xi32, #tpu.memory_space<vmem>> -> memref<128xi32, #tpu.memory_space<vmem>>
    tpu.wait_dma2 semaphore(%arg10 : memref<!tpu.dma_semaphore, #tpu.memory_space<semaphore_mem>>) src(%dma_wait3A_596 : memref<128xi32, #tpu.memory_space<vmem>>) dst(%dma_wait3A_594 : memref<128xi32, #tpu.memory_space<hbm>>)
    %dma_wait3A_597 = arith.constant 2560 : i32
    %dma_wait3A_598 = tpu.memref_slice %arg7[%dma_wait3A_597] : memref<4096xi32, #tpu.memory_space<vmem>> -> memref<128xi32, #tpu.memory_space<vmem>>
    %dma_wait3A_599 = arith.constant 2560 : i32
    %dma_wait3A_600 = tpu.memref_slice %arg4[%arg1, %dma_wait3A_599] : memref<16x4098xi32, #tpu.memory_space<hbm>> -> memref<1x128xi32, #tpu.memory_space<hbm>>
    %dma_wait3A_601 = tpu.memref_squeeze %dma_wait3A_600 : memref<1x128xi32, #tpu.memory_space<hbm>> -> memref<128xi32, #tpu.memory_space<hbm>>
    %dma_wait3A_602 = arith.constant 2560 : i32
    %dma_wait3A_603 = tpu.memref_slice %arg4[%arg1, %dma_wait3A_602] : memref<16x4098xi32, #tpu.memory_space<hbm>> -> memref<1x128xi32, #tpu.memory_space<hbm>>
    %dma_wait3A_604 = tpu.memref_squeeze %dma_wait3A_603 : memref<1x128xi32, #tpu.memory_space<hbm>> -> memref<128xi32, #tpu.memory_space<hbm>>
    %dma_wait3A_605 = arith.constant 2560 : i32
    %dma_wait3A_606 = tpu.memref_slice %arg7[%dma_wait3A_605] : memref<4096xi32, #tpu.memory_space<vmem>> -> memref<128xi32, #tpu.memory_space<vmem>>
    tpu.wait_dma2 semaphore(%arg10 : memref<!tpu.dma_semaphore, #tpu.memory_space<semaphore_mem>>) src(%dma_wait3A_606 : memref<128xi32, #tpu.memory_space<vmem>>) dst(%dma_wait3A_604 : memref<128xi32, #tpu.memory_space<hbm>>)
    %dma_wait3A_607 = arith.constant 2688 : i32
    %dma_wait3A_608 = tpu.memref_slice %arg7[%dma_wait3A_607] : memref<4096xi32, #tpu.memory_space<vmem>> -> memref<128xi32, #tpu.memory_space<vmem>>
    %dma_wait3A_609 = arith.constant 2688 : i32
    %dma_wait3A_610 = tpu.memref_slice %arg4[%arg1, %dma_wait3A_609] : memref<16x4098xi32, #tpu.memory_space<hbm>> -> memref<1x128xi32, #tpu.memory_space<hbm>>
    %dma_wait3A_611 = tpu.memref_squeeze %dma_wait3A_610 : memref<1x128xi32, #tpu.memory_space<hbm>> -> memref<128xi32, #tpu.memory_space<hbm>>
    %dma_wait3A_612 = arith.constant 2688 : i32
    %dma_wait3A_613 = tpu.memref_slice %arg4[%arg1, %dma_wait3A_612] : memref<16x4098xi32, #tpu.memory_space<hbm>> -> memref<1x128xi32, #tpu.memory_space<hbm>>
    %dma_wait3A_614 = tpu.memref_squeeze %dma_wait3A_613 : memref<1x128xi32, #tpu.memory_space<hbm>> -> memref<128xi32, #tpu.memory_space<hbm>>
    %dma_wait3A_615 = arith.constant 2688 : i32
    %dma_wait3A_616 = tpu.memref_slice %arg7[%dma_wait3A_615] : memref<4096xi32, #tpu.memory_space<vmem>> -> memref<128xi32, #tpu.memory_space<vmem>>
    tpu.wait_dma2 semaphore(%arg10 : memref<!tpu.dma_semaphore, #tpu.memory_space<semaphore_mem>>) src(%dma_wait3A_616 : memref<128xi32, #tpu.memory_space<vmem>>) dst(%dma_wait3A_614 : memref<128xi32, #tpu.memory_space<hbm>>)
    %dma_wait3A_617 = arith.constant 2816 : i32
    %dma_wait3A_618 = tpu.memref_slice %arg7[%dma_wait3A_617] : memref<4096xi32, #tpu.memory_space<vmem>> -> memref<128xi32, #tpu.memory_space<vmem>>
    %dma_wait3A_619 = arith.constant 2816 : i32
    %dma_wait3A_620 = tpu.memref_slice %arg4[%arg1, %dma_wait3A_619] : memref<16x4098xi32, #tpu.memory_space<hbm>> -> memref<1x128xi32, #tpu.memory_space<hbm>>
    %dma_wait3A_621 = tpu.memref_squeeze %dma_wait3A_620 : memref<1x128xi32, #tpu.memory_space<hbm>> -> memref<128xi32, #tpu.memory_space<hbm>>
    %dma_wait3A_622 = arith.constant 2816 : i32
    %dma_wait3A_623 = tpu.memref_slice %arg4[%arg1, %dma_wait3A_622] : memref<16x4098xi32, #tpu.memory_space<hbm>> -> memref<1x128xi32, #tpu.memory_space<hbm>>
    %dma_wait3A_624 = tpu.memref_squeeze %dma_wait3A_623 : memref<1x128xi32, #tpu.memory_space<hbm>> -> memref<128xi32, #tpu.memory_space<hbm>>
    %dma_wait3A_625 = arith.constant 2816 : i32
    %dma_wait3A_626 = tpu.memref_slice %arg7[%dma_wait3A_625] : memref<4096xi32, #tpu.memory_space<vmem>> -> memref<128xi32, #tpu.memory_space<vmem>>
    tpu.wait_dma2 semaphore(%arg10 : memref<!tpu.dma_semaphore, #tpu.memory_space<semaphore_mem>>) src(%dma_wait3A_626 : memref<128xi32, #tpu.memory_space<vmem>>) dst(%dma_wait3A_624 : memref<128xi32, #tpu.memory_space<hbm>>)
    %dma_wait3A_627 = arith.constant 2944 : i32
    %dma_wait3A_628 = tpu.memref_slice %arg7[%dma_wait3A_627] : memref<4096xi32, #tpu.memory_space<vmem>> -> memref<128xi32, #tpu.memory_space<vmem>>
    %dma_wait3A_629 = arith.constant 2944 : i32
    %dma_wait3A_630 = tpu.memref_slice %arg4[%arg1, %dma_wait3A_629] : memref<16x4098xi32, #tpu.memory_space<hbm>> -> memref<1x128xi32, #tpu.memory_space<hbm>>
    %dma_wait3A_631 = tpu.memref_squeeze %dma_wait3A_630 : memref<1x128xi32, #tpu.memory_space<hbm>> -> memref<128xi32, #tpu.memory_space<hbm>>
    %dma_wait3A_632 = arith.constant 2944 : i32
    %dma_wait3A_633 = tpu.memref_slice %arg4[%arg1, %dma_wait3A_632] : memref<16x4098xi32, #tpu.memory_space<hbm>> -> memref<1x128xi32, #tpu.memory_space<hbm>>
    %dma_wait3A_634 = tpu.memref_squeeze %dma_wait3A_633 : memref<1x128xi32, #tpu.memory_space<hbm>> -> memref<128xi32, #tpu.memory_space<hbm>>
    %dma_wait3A_635 = arith.constant 2944 : i32
    %dma_wait3A_636 = tpu.memref_slice %arg7[%dma_wait3A_635] : memref<4096xi32, #tpu.memory_space<vmem>> -> memref<128xi32, #tpu.memory_space<vmem>>
    tpu.wait_dma2 semaphore(%arg10 : memref<!tpu.dma_semaphore, #tpu.memory_space<semaphore_mem>>) src(%dma_wait3A_636 : memref<128xi32, #tpu.memory_space<vmem>>) dst(%dma_wait3A_634 : memref<128xi32, #tpu.memory_space<hbm>>)
    %dma_wait3A_637 = arith.constant 3072 : i32
    %dma_wait3A_638 = tpu.memref_slice %arg7[%dma_wait3A_637] : memref<4096xi32, #tpu.memory_space<vmem>> -> memref<128xi32, #tpu.memory_space<vmem>>
    %dma_wait3A_639 = arith.constant 3072 : i32
    %dma_wait3A_640 = tpu.memref_slice %arg4[%arg1, %dma_wait3A_639] : memref<16x4098xi32, #tpu.memory_space<hbm>> -> memref<1x128xi32, #tpu.memory_space<hbm>>
    %dma_wait3A_641 = tpu.memref_squeeze %dma_wait3A_640 : memref<1x128xi32, #tpu.memory_space<hbm>> -> memref<128xi32, #tpu.memory_space<hbm>>
    %dma_wait3A_642 = arith.constant 3072 : i32
    %dma_wait3A_643 = tpu.memref_slice %arg4[%arg1, %dma_wait3A_642] : memref<16x4098xi32, #tpu.memory_space<hbm>> -> memref<1x128xi32, #tpu.memory_space<hbm>>
    %dma_wait3A_644 = tpu.memref_squeeze %dma_wait3A_643 : memref<1x128xi32, #tpu.memory_space<hbm>> -> memref<128xi32, #tpu.memory_space<hbm>>
    %dma_wait3A_645 = arith.constant 3072 : i32
    %dma_wait3A_646 = tpu.memref_slice %arg7[%dma_wait3A_645] : memref<4096xi32, #tpu.memory_space<vmem>> -> memref<128xi32, #tpu.memory_space<vmem>>
    tpu.wait_dma2 semaphore(%arg10 : memref<!tpu.dma_semaphore, #tpu.memory_space<semaphore_mem>>) src(%dma_wait3A_646 : memref<128xi32, #tpu.memory_space<vmem>>) dst(%dma_wait3A_644 : memref<128xi32, #tpu.memory_space<hbm>>)
    %dma_wait3A_647 = arith.constant 3200 : i32
    %dma_wait3A_648 = tpu.memref_slice %arg7[%dma_wait3A_647] : memref<4096xi32, #tpu.memory_space<vmem>> -> memref<128xi32, #tpu.memory_space<vmem>>
    %dma_wait3A_649 = arith.constant 3200 : i32
    %dma_wait3A_650 = tpu.memref_slice %arg4[%arg1, %dma_wait3A_649] : memref<16x4098xi32, #tpu.memory_space<hbm>> -> memref<1x128xi32, #tpu.memory_space<hbm>>
    %dma_wait3A_651 = tpu.memref_squeeze %dma_wait3A_650 : memref<1x128xi32, #tpu.memory_space<hbm>> -> memref<128xi32, #tpu.memory_space<hbm>>
    %dma_wait3A_652 = arith.constant 3200 : i32
    %dma_wait3A_653 = tpu.memref_slice %arg4[%arg1, %dma_wait3A_652] : memref<16x4098xi32, #tpu.memory_space<hbm>> -> memref<1x128xi32, #tpu.memory_space<hbm>>
    %dma_wait3A_654 = tpu.memref_squeeze %dma_wait3A_653 : memref<1x128xi32, #tpu.memory_space<hbm>> -> memref<128xi32, #tpu.memory_space<hbm>>
    %dma_wait3A_655 = arith.constant 3200 : i32
    %dma_wait3A_656 = tpu.memref_slice %arg7[%dma_wait3A_655] : memref<4096xi32, #tpu.memory_space<vmem>> -> memref<128xi32, #tpu.memory_space<vmem>>
    tpu.wait_dma2 semaphore(%arg10 : memref<!tpu.dma_semaphore, #tpu.memory_space<semaphore_mem>>) src(%dma_wait3A_656 : memref<128xi32, #tpu.memory_space<vmem>>) dst(%dma_wait3A_654 : memref<128xi32, #tpu.memory_space<hbm>>)
    %dma_wait3A_657 = arith.constant 3328 : i32
    %dma_wait3A_658 = tpu.memref_slice %arg7[%dma_wait3A_657] : memref<4096xi32, #tpu.memory_space<vmem>> -> memref<128xi32, #tpu.memory_space<vmem>>
    %dma_wait3A_659 = arith.constant 3328 : i32
    %dma_wait3A_660 = tpu.memref_slice %arg4[%arg1, %dma_wait3A_659] : memref<16x4098xi32, #tpu.memory_space<hbm>> -> memref<1x128xi32, #tpu.memory_space<hbm>>
    %dma_wait3A_661 = tpu.memref_squeeze %dma_wait3A_660 : memref<1x128xi32, #tpu.memory_space<hbm>> -> memref<128xi32, #tpu.memory_space<hbm>>
    %dma_wait3A_662 = arith.constant 3328 : i32
    %dma_wait3A_663 = tpu.memref_slice %arg4[%arg1, %dma_wait3A_662] : memref<16x4098xi32, #tpu.memory_space<hbm>> -> memref<1x128xi32, #tpu.memory_space<hbm>>
    %dma_wait3A_664 = tpu.memref_squeeze %dma_wait3A_663 : memref<1x128xi32, #tpu.memory_space<hbm>> -> memref<128xi32, #tpu.memory_space<hbm>>
    %dma_wait3A_665 = arith.constant 3328 : i32
    %dma_wait3A_666 = tpu.memref_slice %arg7[%dma_wait3A_665] : memref<4096xi32, #tpu.memory_space<vmem>> -> memref<128xi32, #tpu.memory_space<vmem>>
    tpu.wait_dma2 semaphore(%arg10 : memref<!tpu.dma_semaphore, #tpu.memory_space<semaphore_mem>>) src(%dma_wait3A_666 : memref<128xi32, #tpu.memory_space<vmem>>) dst(%dma_wait3A_664 : memref<128xi32, #tpu.memory_space<hbm>>)
    %dma_wait3A_667 = arith.constant 3456 : i32
    %dma_wait3A_668 = tpu.memref_slice %arg7[%dma_wait3A_667] : memref<4096xi32, #tpu.memory_space<vmem>> -> memref<128xi32, #tpu.memory_space<vmem>>
    %dma_wait3A_669 = arith.constant 3456 : i32
    %dma_wait3A_670 = tpu.memref_slice %arg4[%arg1, %dma_wait3A_669] : memref<16x4098xi32, #tpu.memory_space<hbm>> -> memref<1x128xi32, #tpu.memory_space<hbm>>
    %dma_wait3A_671 = tpu.memref_squeeze %dma_wait3A_670 : memref<1x128xi32, #tpu.memory_space<hbm>> -> memref<128xi32, #tpu.memory_space<hbm>>
    %dma_wait3A_672 = arith.constant 3456 : i32
    %dma_wait3A_673 = tpu.memref_slice %arg4[%arg1, %dma_wait3A_672] : memref<16x4098xi32, #tpu.memory_space<hbm>> -> memref<1x128xi32, #tpu.memory_space<hbm>>
    %dma_wait3A_674 = tpu.memref_squeeze %dma_wait3A_673 : memref<1x128xi32, #tpu.memory_space<hbm>> -> memref<128xi32, #tpu.memory_space<hbm>>
    %dma_wait3A_675 = arith.constant 3456 : i32
    %dma_wait3A_676 = tpu.memref_slice %arg7[%dma_wait3A_675] : memref<4096xi32, #tpu.memory_space<vmem>> -> memref<128xi32, #tpu.memory_space<vmem>>
    tpu.wait_dma2 semaphore(%arg10 : memref<!tpu.dma_semaphore, #tpu.memory_space<semaphore_mem>>) src(%dma_wait3A_676 : memref<128xi32, #tpu.memory_space<vmem>>) dst(%dma_wait3A_674 : memref<128xi32, #tpu.memory_space<hbm>>)
    %dma_wait3A_677 = arith.constant 3584 : i32
    %dma_wait3A_678 = tpu.memref_slice %arg7[%dma_wait3A_677] : memref<4096xi32, #tpu.memory_space<vmem>> -> memref<128xi32, #tpu.memory_space<vmem>>
    %dma_wait3A_679 = arith.constant 3584 : i32
    %dma_wait3A_680 = tpu.memref_slice %arg4[%arg1, %dma_wait3A_679] : memref<16x4098xi32, #tpu.memory_space<hbm>> -> memref<1x128xi32, #tpu.memory_space<hbm>>
    %dma_wait3A_681 = tpu.memref_squeeze %dma_wait3A_680 : memref<1x128xi32, #tpu.memory_space<hbm>> -> memref<128xi32, #tpu.memory_space<hbm>>
    %dma_wait3A_682 = arith.constant 3584 : i32
    %dma_wait3A_683 = tpu.memref_slice %arg4[%arg1, %dma_wait3A_682] : memref<16x4098xi32, #tpu.memory_space<hbm>> -> memref<1x128xi32, #tpu.memory_space<hbm>>
    %dma_wait3A_684 = tpu.memref_squeeze %dma_wait3A_683 : memref<1x128xi32, #tpu.memory_space<hbm>> -> memref<128xi32, #tpu.memory_space<hbm>>
    %dma_wait3A_685 = arith.constant 3584 : i32
    %dma_wait3A_686 = tpu.memref_slice %arg7[%dma_wait3A_685] : memref<4096xi32, #tpu.memory_space<vmem>> -> memref<128xi32, #tpu.memory_space<vmem>>
    tpu.wait_dma2 semaphore(%arg10 : memref<!tpu.dma_semaphore, #tpu.memory_space<semaphore_mem>>) src(%dma_wait3A_686 : memref<128xi32, #tpu.memory_space<vmem>>) dst(%dma_wait3A_684 : memref<128xi32, #tpu.memory_space<hbm>>)
    %dma_wait3A_687 = arith.constant 3712 : i32
    %dma_wait3A_688 = tpu.memref_slice %arg7[%dma_wait3A_687] : memref<4096xi32, #tpu.memory_space<vmem>> -> memref<128xi32, #tpu.memory_space<vmem>>
    %dma_wait3A_689 = arith.constant 3712 : i32
    %dma_wait3A_690 = tpu.memref_slice %arg4[%arg1, %dma_wait3A_689] : memref<16x4098xi32, #tpu.memory_space<hbm>> -> memref<1x128xi32, #tpu.memory_space<hbm>>
    %dma_wait3A_691 = tpu.memref_squeeze %dma_wait3A_690 : memref<1x128xi32, #tpu.memory_space<hbm>> -> memref<128xi32, #tpu.memory_space<hbm>>
    %dma_wait3A_692 = arith.constant 3712 : i32
    %dma_wait3A_693 = tpu.memref_slice %arg4[%arg1, %dma_wait3A_692] : memref<16x4098xi32, #tpu.memory_space<hbm>> -> memref<1x128xi32, #tpu.memory_space<hbm>>
    %dma_wait3A_694 = tpu.memref_squeeze %dma_wait3A_693 : memref<1x128xi32, #tpu.memory_space<hbm>> -> memref<128xi32, #tpu.memory_space<hbm>>
    %dma_wait3A_695 = arith.constant 3712 : i32
    %dma_wait3A_696 = tpu.memref_slice %arg7[%dma_wait3A_695] : memref<4096xi32, #tpu.memory_space<vmem>> -> memref<128xi32, #tpu.memory_space<vmem>>
    tpu.wait_dma2 semaphore(%arg10 : memref<!tpu.dma_semaphore, #tpu.memory_space<semaphore_mem>>) src(%dma_wait3A_696 : memref<128xi32, #tpu.memory_space<vmem>>) dst(%dma_wait3A_694 : memref<128xi32, #tpu.memory_space<hbm>>)
    %dma_wait3A_697 = arith.constant 3840 : i32
    %dma_wait3A_698 = tpu.memref_slice %arg7[%dma_wait3A_697] : memref<4096xi32, #tpu.memory_space<vmem>> -> memref<128xi32, #tpu.memory_space<vmem>>
    %dma_wait3A_699 = arith.constant 3840 : i32
    %dma_wait3A_700 = tpu.memref_slice %arg4[%arg1, %dma_wait3A_699] : memref<16x4098xi32, #tpu.memory_space<hbm>> -> memref<1x128xi32, #tpu.memory_space<hbm>>
    %dma_wait3A_701 = tpu.memref_squeeze %dma_wait3A_700 : memref<1x128xi32, #tpu.memory_space<hbm>> -> memref<128xi32, #tpu.memory_space<hbm>>
    %dma_wait3A_702 = arith.constant 3840 : i32
    %dma_wait3A_703 = tpu.memref_slice %arg4[%arg1, %dma_wait3A_702] : memref<16x4098xi32, #tpu.memory_space<hbm>> -> memref<1x128xi32, #tpu.memory_space<hbm>>
    %dma_wait3A_704 = tpu.memref_squeeze %dma_wait3A_703 : memref<1x128xi32, #tpu.memory_space<hbm>> -> memref<128xi32, #tpu.memory_space<hbm>>
    %dma_wait3A_705 = arith.constant 3840 : i32
    %dma_wait3A_706 = tpu.memref_slice %arg7[%dma_wait3A_705] : memref<4096xi32, #tpu.memory_space<vmem>> -> memref<128xi32, #tpu.memory_space<vmem>>
    tpu.wait_dma2 semaphore(%arg10 : memref<!tpu.dma_semaphore, #tpu.memory_space<semaphore_mem>>) src(%dma_wait3A_706 : memref<128xi32, #tpu.memory_space<vmem>>) dst(%dma_wait3A_704 : memref<128xi32, #tpu.memory_space<hbm>>)
    %dma_wait3A_707 = arith.constant 3968 : i32
    %dma_wait3A_708 = tpu.memref_slice %arg7[%dma_wait3A_707] : memref<4096xi32, #tpu.memory_space<vmem>> -> memref<128xi32, #tpu.memory_space<vmem>>
    %dma_wait3A_709 = arith.constant 3968 : i32
    %dma_wait3A_710 = tpu.memref_slice %arg4[%arg1, %dma_wait3A_709] : memref<16x4098xi32, #tpu.memory_space<hbm>> -> memref<1x128xi32, #tpu.memory_space<hbm>>
    %dma_wait3A_711 = tpu.memref_squeeze %dma_wait3A_710 : memref<1x128xi32, #tpu.memory_space<hbm>> -> memref<128xi32, #tpu.memory_space<hbm>>
    %dma_wait3A_712 = arith.constant 3968 : i32
    %dma_wait3A_713 = tpu.memref_slice %arg4[%arg1, %dma_wait3A_712] : memref<16x4098xi32, #tpu.memory_space<hbm>> -> memref<1x128xi32, #tpu.memory_space<hbm>>
    %dma_wait3A_714 = tpu.memref_squeeze %dma_wait3A_713 : memref<1x128xi32, #tpu.memory_space<hbm>> -> memref<128xi32, #tpu.memory_space<hbm>>
    %dma_wait3A_715 = arith.constant 3968 : i32
    %dma_wait3A_716 = tpu.memref_slice %arg7[%dma_wait3A_715] : memref<4096xi32, #tpu.memory_space<vmem>> -> memref<128xi32, #tpu.memory_space<vmem>>
    tpu.wait_dma2 semaphore(%arg10 : memref<!tpu.dma_semaphore, #tpu.memory_space<semaphore_mem>>) src(%dma_wait3A_716 : memref<128xi32, #tpu.memory_space<vmem>>) dst(%dma_wait3A_714 : memref<128xi32, #tpu.memory_space<hbm>>)
    return
  }
}

</mosaic_0001>

<sc_bundles>
// kernel: kernel.3.cloned.1.call-start
scs
__scs_entry_jumppad:
0x0: {  	(pc) =	sbr.rel $0x88, $3  }
0x1: {  	(tag) =	ssettag $0x0;
	lr =	simm.s32 $0x1  }
0x2: {  	[smem:$0x3F9F] =	sst lr;
	_ =	strace $0xD0000000  }
0x3: {  	_ = 	snop  }
0x4: {  	_ = 	snop  }
0x5: {  	_ = 	snop  }
0x6: {  	_ = 	snop  }
0x7: {  	_ = 	snop  }
__scs_overlays_trampoline_lowered:
0x8: {  	[smem:$0x3FAE] =	sst s0  }
0x9: {  	[smem:$0x3FAF] =	sst s1  }
0xa: {  	[smem:$0x3FB0] =	sst s2  }
0xb: {  	[smem:$0x3FB1] =	sst s3  }
0xc: {  	[smem:$0x3FB2] =	sst s4  }
0xd: {  	[smem:$0x3FB3] =	sst s5  }
0xe: {  	[smem:$0x3FB4] =	sst s6  }
0xf: {  	[smem:$0x3FB5] =	sst s7  }
0x10: {  	[smem:$0x3FB6] =	sst s8  }
0x11: {  	[smem:$0x3FB7] =	sst s9;
	s0 =	simm.s32 @!p0 $0x0  }
0x12: {  	s1 =	sld [smem:$0x3F9D];
	s0 =	simm.s32 @p0 $0x1  }
0x13: {  	[smem:$0x3FB8] =	sst s0;
	s0 =	simm.s32 @!p1 $0x0  }
0x14: {  	s2 =	sld [smem:$0x3F9C];
	s0 =	simm.s32 @p1 $0x1  }
0x15: {  	[smem:$0x3FB9] =	sst s0;
	s0 =	simm.s32 @!p2 $0x0  }
0x16: {  	s3 =	sld [smem:$0x3FDB];
	s0 =	simm.s32 @p2 $0x1  }
0x17: {  	s4 =	simm.s32 $0x1BF5;
	[smem:$0x3FBB] =	sst s0  }
0x18: {  	s0 =	sld [smem:$0x3F9E];
	_ =	swait.ge [sflag:s4], $0x0  }
0x19: {  	s7 =	sld [smem:$0x3F9F]  }
0x1a: {  	s8 =	sadd.s32 $0xFFFFE003, lr  }
0x1b: {  	s9 =	sadd.s32 $0xFFFFFEF7, lr;
	s5 =	simm.s32 $0xFFFFFFFF;
	p2 =	slt.u32 s8, $0xFFFFF086  }
0x1c: {  	p1 =	slt.u32 s9, $0xF7A;
	s5 =	simm.s32 @!p2 $0x0  }
0x1d: {  	s5 =	simm.s32 @p1 $0x1;
	p0 =	seq.s32 s7, s2  }
0x1e: {  	s7 =	smul.u32 @!p0 $0xF7A, s2;
	p2 =	seq.s32 @!p0 s5, $0x0  }
0x1f: {  	s9 =	smul.u32 $0xF7A, s1;
	s8 =	simm.s32 @!p0 $0x1BF5;
	p2 =	por !p2, p0  }
0x20: {  	[sflag:s8] =	ssyncset.s32 @!p0 $0xFFFFF086;
	s6 =	sadd.s32 @!p0 s3, s7;
	s7 =	simm.s32 @!p0 $0x108  }
0x21: {  	s3 =	sadd.s32 s3, s9;
	s6 =	sadd.s32 @!p0 $0x88, s6;
	s7 =	simm.s32 @p2 $0x1082  }
0x22: {  	[simem:s7], [sflag:s8] =	dma.local @!p0 [hbm:s6], $0xF7A  }
0x23: {  	s9 =	sor.u32 $0xD0000000, s2;
	s6 =	simm.s32 $0x108;
	_ =	swait.ge @!p0 [sflag:s8], $0x0  }
0x24: {  	s3 =	sadd.s32 $0x88, s3;
	s6 =	simm.s32 @!p1 $0x1082;
	[sflag:s4] =	ssyncset.s32 $0xFFFFF086  }
0x25: {  	[simem:s6], [sflag:s4] =	dma.local [hbm:s3], $0xF7A  }
0x26: {  	[smem:$0x3F9F] =	sst s1;
	(tag) =	ssettag s2;
	_ =	strace s9  }
0x27: {  	s1 =	sld [smem:$0x3FAF]  }
0x28: {  	s2 =	sld [smem:$0x3FB0]  }
0x29: {  	s4 =	sld [smem:$0x3FB2]  }
0x2a: {  	p0 =	seq.s32 s5, $0x0;
	s5 =	sld [smem:$0x3FB3]  }
0x2b: {  	s6 =	sld [smem:$0x3FB4]  }
0x2c: {  	s7 =	sld [smem:$0x3FB5]  }
0x2d: {  	s3 =	simm.s32 $0x108;
	s8 =	sld [smem:$0x3FB6]  }
0x2e: {  	s3 =	simm.s32 @!p0 $0x1082;
	s9 =	sld [smem:$0x3FB7]  }
0x2f: {  	lr =	sadd.s32 s0, s3;
	s0 =	sld [smem:$0x3FAE]  }
0x30: {  	s3 =	sld [smem:$0x3FB1]  }
0x31: {  	[smem:$0x3FBA] =	sst s10  }
0x32: {  	s10 =	sld [smem:$0x3FB8];
	_ =	sdelay $0x3  }
0x33: {  	p0 =	seq.s32 s10, $0x1;
	s10 =	sld [smem:$0x3FBA];
	_ =	sdelay $0x3  }
0x34: {  	[smem:$0x3FBA] =	sst s10  }
0x35: {  	s10 =	sld [smem:$0x3FB9];
	_ =	sdelay $0x3  }
0x36: {  	p1 =	seq.s32 s10, $0x1;
	s10 =	sld [smem:$0x3FBA];
	_ =	sdelay $0x3  }
0x37: {  	[smem:$0x3FBA] =	sst s10  }
0x38: {  	s10 =	sld [smem:$0x3FBB]  }
0x39: {  	_ = 	snop;
	(pc) =	sbr.ind lr, $3  }
0x3a: {  	_ = 	snop  }
0x3b: {  	_ = 	snop  }
0x3c: {  	p2 =	seq.s32 s10, $0x1;
	s10 =	sld [smem:$0x3FBA]  }
0x3d: {  	_ =	shalt  }
0x3e: {  	_ =	shalt  }
0x3f: {  	_ =	shalt  }
0x40: {  	_ =	shalt  }
0x41: {  	_ =	shalt  }
0x42: {  	_ =	shalt  }
0x43: {  	_ =	shalt  }
0x44: {  	_ =	shalt  }
0x45: {  	_ =	shalt  }
0x46: {  	_ =	shalt  }
0x47: {  	_ =	shalt  }
0x48: {  	_ =	shalt  }
0x49: {  	_ =	shalt  }
0x4a: {  	_ =	shalt  }
0x4b: {  	_ =	shalt  }
0x4c: {  	_ =	shalt  }
0x4d: {  	_ =	shalt  }
0x4e: {  	_ =	shalt  }
0x4f: {  	_ =	shalt  }
0x50: {  	_ =	shalt  }
0x51: {  	_ =	shalt  }
0x52: {  	_ =	shalt  }
0x53: {  	_ =	shalt  }
0x54: {  	_ =	shalt  }
0x55: {  	_ =	shalt  }
0x56: {  	_ =	shalt  }
0x57: {  	_ =	shalt  }
0x58: {  	_ =	shalt  }
0x59: {  	_ =	shalt  }
0x5a: {  	_ =	shalt  }
0x5b: {  	_ =	shalt  }
0x5c: {  	_ =	shalt  }
0x5d: {  	_ =	shalt  }
0x5e: {  	_ =	shalt  }
0x5f: {  	_ =	shalt  }
0x60: {  	_ =	shalt  }
0x61: {  	_ =	shalt  }
0x62: {  	_ =	shalt  }
0x63: {  	_ =	shalt  }
0x64: {  	_ =	shalt  }
0x65: {  	_ =	shalt  }
0x66: {  	_ =	shalt  }
0x67: {  	_ =	shalt  }
0x68: {  	_ =	shalt  }
0x69: {  	_ =	shalt  }
0x6a: {  	_ =	shalt  }
0x6b: {  	_ =	shalt  }
0x6c: {  	_ =	shalt  }
0x6d: {  	_ =	shalt  }
0x6e: {  	_ =	shalt  }
0x6f: {  	_ =	shalt  }
0x70: {  	_ =	shalt  }
0x71: {  	_ =	shalt  }
0x72: {  	_ =	shalt  }
0x73: {  	_ =	shalt  }
0x74: {  	_ =	shalt  }
0x75: {  	_ =	shalt  }
0x76: {  	_ =	shalt  }
0x77: {  	_ =	shalt  }
0x78: {  	_ =	shalt  }
0x79: {  	_ =	shalt  }
0x7a: {  	_ =	shalt  }
0x7b: {  	_ =	shalt  }
0x7c: {  	_ =	shalt  }
0x7d: {  	_ =	shalt  }
0x7e: {  	_ =	shalt  }
0x7f: {  	_ =	shalt  }
0x80: {  	_ =	shalt  }
0x81: {  	_ =	shalt  }
0x82: {  	_ =	shalt  }
0x83: {  	_ =	shalt  }
0x84: {  	_ =	shalt  }
0x85: {  	_ =	shalt  }
0x86: {  	_ =	shalt  }
0x87: {  	_ =	shalt  }
.Lfunc_end0:
.L_simem_size_0:
called_computation_lowered:
.L_overlay_start_0:
0x88: {  	s0 =	sld [smem:$0x3FD9]  }
0x89: {  	s1 =	sld [smem:$0x3FFE];
	_ =	sdelay $0x3  }
0x8a: {  	s0 =	sadd.s32 s1, s0  }
0x8b: {  	[smem:$0x3FC6] =	sst s0  }
0x8c: {  	_ = 	snop  }
0x8d: {  	s0 =	sld [smem:$0x3FC8]  }
0x8e: {  	s16 =	sld [smem:$0x3FD0];
	(tm) =	ssettm $0x1  }
0x8f: {  	s2 =	sld [smem:$0x3FFB];
	_ =	sdelay $0x3  }
0x90: {  	_ =	strace s2  }
0x91: {  	s2 =	sld [smem:$0x3FFC];
	_ =	sdelay $0x3  }
0x92: {  	_ =	strace s2  }
0x93: {  	s2 =	sld [smem:$0x3FFD];
	_ =	sdelay $0x3  }
0x94: {  	_ =	strace s2  }
0x95: {  	_ =	strace $0x8FFFFFFF  }
0x96: {  	s17 =	sld [smem:$0x3FDB];
	_ =	sdelay $0x1  }
0x97: {  	s3 =	simm.s32 $_scs_section_size  }
0x98: {  	s4 =	simm.s32 $_size__tile_overlayer_lowered;
	s5 =	simm.s32 $_tile_overlayer_lowered  }
0x99: {  	s20 =	simm.s32 $0x1BFF;
	s19 =	sshll.u32 s5, $0x1;
	s2 =	sadd.s32 s3, s17  }
0x9a: {  	s6 =	simm.s32 $0x0;
	s18 =	sshll.u32 s4, $0x1;
	s4 =	sadd.s32 s19, s2  }
0x9b: {  	[timem:s6], [sflag:s20] =	dma.local [hbm:s4], s18  }
0x9c: {  	_ =	swait.ge [sflag:s20], s18  }
0x9d: {  	s3 =	ssub.s32 $0x0, s18;
	[sflag:s20] =	ssyncset.done $0x0  }
0x9e: {  	[sflag:s20] =	ssyncadd.s32 s3;
	_ =	sdelay $0x1  }
0x9f: {  	s21 =	simm.s32 $0x1B8B  }
0xa0: {  	_ =	swait.ge [sflag:s21], $0x1  }
0xa1: {  	[sflag:s21] =	ssyncset.done $0x0  }
0xa2: {  	s23 =	simm.s32 $0x1B8E;
	s22 =	sld [smem:$0x3FFE];
	[sflag:s21] =	ssyncadd.s32 $0xFFFFFFFF  }
0xa3: {  	s24 =	simm.s32 $execute0_lowered;
	[smem:$0x3FD2] =	sst s23  }
0xa4: {  	s4 =	sshll.u32 s24, $0x1;
	_ =	strace $0x80000046;
	[dreg:$0x1] =	wrdreg $0xFFFFFFFF  }
0xa5: {  	s25 =	simm.s32 $_size_execute0_lowered;
	s2 =	sadd.s32 s2, s4;
	[dreg:$0x0] =	wrdreg $0x0  }
0xa6: {  	s4 =	sshll.u32 s25, $0x1;
	[dreg:$0x2] =	wrdreg s2  }
0xa7: {  	[dreg:$0x3] =	wrdreg s4  }
0xa8: {  	[dreg:$0x4] =	wrdreg $0xC0  }
0xa9: {  	_ =	task [dreg:s6], $0x5FFFF  }
0xaa: {  	[dreg:$0x1] =	wrdreg $0xFFFFFFFF  }
0xab: {  	[dreg:$0x0] =	wrdreg $0x60  }
0xac: {  	[dreg:$0x2] =	wrdreg s22  }
0xad: {  	[dreg:$0x3] =	wrdreg s0  }
0xae: {  	[dreg:$0x4] =	wrdreg s16  }
0xaf: {  	[dreg:$0x5] =	wrdreg $0x9  }
0xb0: {  	_ =	task.clear_ibuf [dreg:s6], $0x6FFFF;
	_ =	strace $0x90000046  }
0xb1: {  	s26 =	simm.s32 $0x9;
	_ =	strace $0x80000048  }
0xb2: {  	_ =	swait.ge [sflag:s26], $0x1  }
0xb3: {  	[sflag:s26] =	ssyncadd.s32 $0xFFFFFFFF  }
0xb4: {  	_ =	strace $0x90000048  }
0xb5: {  	_ =	sfence  }
0xb6: {  	s28 =	sld [smem:$0x0];
	_ =	sdelay $0x1  }
0xb7: {  	s29 =	srdreg.scid  }
0xb8: {  	s30 =	sshll.u32 s29, $0xD;
	s31 =	sshrl.u32 s29, $0x2  }
0xb9: {  	s1 =	sand.u32 $0x1, s29;
	s2 =	sand.u32 $0x4000, s30;
	s0 =	sadd.s32 s31, s28  }
0xba: {  	s1 =	sor.u32 s2, s1;
	s0 =	sshll.u32 s0, $0x11  }
0xbb: {  	s0 =	sor.u32 s0, s1  }
0xbc: {  	s0 =	sadd.s32 $0x8F2B, s0  }
0xbd: {  	[sflag:s0] =	ssyncadd.remote.s32 $0x1  }
0xbe: {  	_ =	sfence.sel $0xFFFF  }
0xbf: {  	[dreg:$0x0] =	wrdreg $0xFFFFFFFF;
	(pc) =	sbr.abs _section_cstart, $3  }
0xc0: {  	[dreg:$0x1] =	wrdreg $0xFFFFFFFF  }
0xc1: {  	_ =	task.clear_ibuf [dreg:s6], $0x2FFFF;
	_ =	strace $0x9FFFFFFF  }
0xc2: {  	(tm) =	ssettm $0x7FFFFFFF  }
0xc3: {  	_ =	shalt  }
tec
execute0_lowered:
.L_overlay_start_1:
0x0: {  	(tag) =	ssettag $0x1  }
0x1: {  	s0 =	rddreg [dreg:$0x0]  }
0x2: {  	s1 =	rddreg [dreg:$0x1];
	s17 =	simm.s32 $0x0  }
0x3: {  	[smem:$0x7FF] =	sst s17  }
0x4: {  	s16 =	rddreg [dreg:$0x2];
	s14 =	simm.s32 $0x4;
	_ =	strace $0x80000047  }
0x5: {  	[tilespmem:s17], [sflag:$0x4] =	stream.linear.gather [hbm4b:s1+s17], $0x11, $0x38;
	[tilespmem:$0x2100] =	vst v63  }
0x6: {  	_ =	swait.ge [sflag:s14], $0x11  }
0x7: {  	[sflag:s14] =	ssyncset.done $0x0  }
0x8: {  	s4 =	stileid.u32;
	[sflag:s14] =	ssyncadd.s32 $0xFFFFFFEF  }
0x9: {  	v0 =	vld [tilespmem:s4+$0x0];
	_ =	sdelay $0x4  }
0xa: {  	(v2sf) =	vpush v0, $0x0;
	_ =	sdelay $0x8  }
0xb: {  	s15 =	sshrl.u32 s4, $0x3  }
0xc: {  	s3 =	sshll.u32 s4, $0x7;
	s1 =	smul.u32 $0x8400, s15  }
0xd: {  	s18 =	sand.u32 $0x380, s3  }
0xe: {  	s13 =	simm.s32 $0x8A8;
	s18 =	sor.u32 s18, s1  }
0xf: {  	s1 =	sadd.s32 $0x400, s18;
	s20 =	sshrl.u32 s18, $0x3;
	s21 =	sadd.s32 $0x800, s18  }
0x10: {  	s22 =	sadd.s32 $0xC00, s18;
	s23 =	sadd.s32 $0x1000, s18;
	s24 =	sadd.s32 $0x1400, s18  }
0x11: {  	s25 =	sadd.s32 $0x1800, s18;
	s26 =	sadd.s32 $0x1C00, s18;
	s5 =	spop (v2sf)  }
0x12: {  	s7 =	sadd.s32 $0x2C00, s18;
	s8 =	sadd.s32 $0x3000, s18;
	v0 =	vld [tilespmem:s4+$0x1];
	s2 =	sand.u32 $0xFFFFFFF8, s5  }
0x13: {  	s9 =	sadd.s32 $0x3400, s18;
	s11 =	sadd.s32 $0x3800, s18;
	s6 =	sadd.s32 $0xFFFFFFF8, s2  }
0x14: {  	s14 =	sadd.s32 $0x3C00, s18;
	s1 =	sshrl.u32 s1, $0x3;
	p0 =	sgt.s32 s6, $0x0  }
0x15: {  	s20 =	sadd.s32 s16, s20;
	s3 =	sshrl.u32 s23, $0x3;
	s6 =	simm.s32 @!p0 $0x0  }
0x16: {  	s10 =	sshrl.u32 s8, $0x3;
	s8 =	simm.s32 $0x1;
	s19 =	sshrl.u32 s6, $0x3  }
0x17: {  	s4 =	sadd.s32 $0x2800, s18;
	(v2sf) =	vpush v0, $0x0;
	s2 =	sadd.s32 s19, s0;
	s19 =	sadd.s32 s16, s1  }
0x18: {  	s0 =	sshrl.u32 s21, $0x3;
	s1 =	sshrl.u32 s22, $0x3;
	s21 =	sadd.s32 s16, s3  }
0x19: {  	s3 =	sshrl.u32 s26, $0x3;
	s23 =	sadd.s32 s16, s0;
	s22 =	sadd.s32 s16, s1  }
0x1a: {  	s0 =	sshrl.u32 s24, $0x3;
	s1 =	sshrl.u32 s25, $0x3;
	s24 =	sadd.s32 s16, s3  }
0x1b: {  	s3 =	sadd.s32 $0x2400, s18;
	s12 =	sadd.s32 $0xA00, s2;
	s2 =	sadd.s32 $0xB02, s2  }
0x1c: {  	s26 =	sadd.s32 s16, s0;
	s25 =	sadd.s32 s16, s1;
	s1 =	sadd.s32 $0x2000, s18  }
0x1d: {  	s0 =	sshrl.u32 s1, $0x3;
	s1 =	sshrl.u32 s3, $0x3;
	s3 =	sshrl.u32 s4, $0x3  }
0x1e: {  	s4 =	sshrl.u32 s14, $0x3;
	s30 =	sadd.s32 s16, s0;
	s29 =	sadd.s32 s16, s1  }
0x1f: {  	s28 =	sadd.s32 s16, s3;
	s0 =	sshrl.u32 s7, $0x3;
	s3 =	sshrl.u32 s9, $0x3  }
0x20: {  	s7 =	simm.s32 $0x98;
	s9 =	sadd.s32 $0x4000, s18;
	s1 =	sadd.s32 s16, s0  }
0x21: {  	[tilespmem:s7], [sflag:$0x1] =	stream.linear.gather [hbm4b:s12+s17], $0x810, $0x38;
	[tilespmem:$0x2100] =	vst v63  }
0x22: {  	s0 =	sadd.s32 s16, s10;
	s31 =	sadd.s32 s16, s3;
	s3 =	sshrl.u32 s11, $0x3  }
0x23: {  	s9 =	sshrl.u32 s9, $0x3;
	s7 =	ssub.s32 s5, s6;
	s6 =	sshll.u32 s6, $0x2  }
0x24: {  	s11 =	sadd.s32 $0x4400, s18;
	s12 =	sadd.s32 $0x4800, s18;
	s10 =	sadd.s32 s16, s9  }
0x25: {  	[tilespmem:s13], [sflag:$0x2] =	stream.linear.gather [hbm4b:s2+s17], $0x800, $0x38;
	[tilespmem:$0x2100] =	vst v63  }
0x26: {  	s14 =	sshrl.u32 s12, $0x3;
	s2 =	sadd.s32 s16, s3;
	s15 =	spop (v2sf)  }
0x27: {  	s3 =	sadd.s32 s16, s4;
	s13 =	sadd.s32 $0x4C00, s18;
	_ =	swait.ge [sflag:s8], $0x810  }
0x28: {  	s4 =	ssub.s32 s15, s5;
	s5 =	sshll.u32 s5, $0x2;
	[dreg:$0x4] =	wrdreg s10  }
0x29: {  	s15 =	sshrl.u32 s13, $0x3;
	s10 =	sadd.s32 $0x5000, s18;
	[sflag:s8] =	ssyncset.done $0x0  }
0x2a: {  	s5 =	ssub.s32 s5, s6;
	s6 =	sshrl.u32 s11, $0x3;
	s9 =	sadd.s32 s16, s15  }
0x2b: {  	s11 =	sadd.s32 $0x5400, s18;
	s15 =	sadd.s32 $0x5C00, s18;
	[sflag:s8] =	ssyncadd.s32 $0xFFFFF7F0  }
0x2c: {  	s6 =	sadd.s32 s16, s6;
	[dreg:$0x6] =	wrdreg s9;
	s9 =	sadd.s32 $0x1, s4  }
0x2d: {  	s12 =	sshrl.u32 s11, $0x3;
	[dreg:$0x5] =	wrdreg s6;
	s6 =	sadd.s32 s16, s14  }
0x2e: {  	s8 =	sshrl.u32 s15, $0x3;
	[dreg:$0x7] =	wrdreg s6;
	s6 =	sshrl.u32 s10, $0x3  }
0x2f: {  	vm0 =	vcmask $0x3B00;
	v0 =	vimm.s32 $0x65;
	s15 =	sadd.s32 $0x6C00, s18;
	s13 =	sadd.s32 s9, s7;
	s6 =	sadd.s32 s16, s6  }
0x30: {  	v0 =	vsel vm0, $0x0, v0;
	p0 =	sgt.s32 s9, $0x7FF;
	[dreg:$0x8] =	wrdreg s6;
	s6 =	sadd.s32 s16, s12  }
0x31: {  	[tilespmem:s7+$0x88] =	vst v0;
	s14 =	sadd.s32 $0x5800, s18;
	[dreg:$0x9] =	wrdreg s6;
	s6 =	sadd.s32 $0x17, s13  }
0x32: {  	s8 =	sadd.s32 s16, s8;
	s10 =	sadd.s32 $0x6000, s18;
	s7 =	sshrl.u32 s14, $0x3;
	v0 =	vld @!p0 [tilespmem:s6+$0x80]  }
0x33: {  	[dreg:$0xb] =	wrdreg s8;
	s11 =	sshrl.u32 s10, $0x3;
	s7 =	sadd.s32 s16, s7  }
0x34: {  	[dreg:$0xc] =	wrdreg s7;
	s10 =	sadd.s32 s16, s11;
	s11 =	sadd.s32 $0x6400, s18  }
0x35: {  	v1 =	vlaneseq.u32 @!p0;
	s12 =	sadd.s32 $0x6800, s18;
	[dreg:$0xa] =	wrdreg s10;
	s13 =	sadd.s32 $0x9C, s5  }
0x36: {  	vm0 =	veq.s32 @!p0 v1, $0x0;
	s7 =	sshrl.u32 s11, $0x3;
	s8 =	sshrl.u32 s12, $0x3;
	s10 =	sadd.s32 $0x7000, s18  }
0x37: {  	s13 =	sshra.s32 s13, $0x2;
	s12 =	sadd.s32 s16, s7;
	s14 =	sadd.s32 s16, s8;
	v0 =	vsel @!p0 vm0, $0x66, v0  }
0x38: {  	[dreg:$0xd] =	wrdreg s14;
	s7 =	sadd.s32 $0x80, s13;
	s14 =	sadd.s32 $0x7400, s18;
	[tilespmem:s6+$0x80] =	vst @!p0 v0  }
0x39: {  	s8 =	sshrl.u32 s15, $0x3;
	s13 =	sshrl.u32 s10, $0x3;
	s11 =	sshrl.u32 s14, $0x3;
	v6 =	vld [tilespmem:s7+$0x20]  }
0x3a: {  	v1 =	vlaneseq.u32;
	s14 =	sadd.s32 s16, s13;
	s13 =	sadd.s32 s16, s11;
	s11 =	simm.s32 $0x30;
	v3 =	vld [tilespmem:s7+$0x0]  }
0x3b: {  	s15 =	sadd.s32 s16, s8;
	s8 =	sadd.s32 $0x7800, s18;
	s10 =	sadd.s32 $0x7C00, s18;
	v4 =	vor.u32 s11, v1;
	v0 =	vmov s9;
	v2 =	vld [tilespmem:s7+$0x10]  }
0x3c: {  	s8 =	sshrl.u32 s8, $0x3;
	s10 =	sshrl.u32 s10, $0x3;
	s11 =	simm.s32 $0x10;
	vm1 =	vgt.s32 v4, v0;
	v4 =	vld [tilespmem:s7+$0xFFFFFFF0]  }
0x3d: {  	s18 =	sadd.s32 s16, s8;
	s16 =	sadd.s32 s16, s10;
	v7 =	vor.u32 s11, v1;
	s11 =	simm.s32 $0x20  }
0x3e: {  	s8 =	sadd.s32 $0x40, s7;
	v5 =	vor.u32 s11, v1;
	s9 =	simm.s32 $0x40;
	vm0 =	vgt.s32 v7, v0;
	s7 =	simm.s32 $0x1120;
	v6 =	vsel vm1, $0x0, v6  }
.LBB2_1:
0x3f: {  	v7 =	vld [tilespmem:s8+$0x20];
	p0 =	slt.u32 s9, $0x7C0;
	v8 =	vor.u32 s17, v1;
	v9 =	vsel vm0, $0x0, v3;
	vm0 =	vgt.s32 v5, v0;
	[tilespmem:s7+$0x10] =	vst v6;
	s17 =	smov.u32 s9;
	s9 =	sadd.s32 $0x40, s9  }
.Ltmp0:
0x40: {  	v3 =	vld [tilespmem:s8+$0x0];
	vm1 =	vgt.s32 v8, v0;
	[tilespmem:s7+$0xFFFFFFF0] =	vst v9;
	v5 =	vsel vm0, $0x0, v2;
	(pc) =	sbr.rel @p0 .LBB2_1-.Ltmp0, $4  }
0x41: {  	s10 =	sadd.s32 $0x30, s17;
	v2 =	vld [tilespmem:s8+$0x10];
	v6 =	vsel vm1, $0x0, v4;
	[tilespmem:s7+$0x0] =	vst v5  }
0x42: {  	s11 =	sadd.s32 $0x10, s17;
	v5 =	vor.u32 s10, v1;
	v4 =	vld [tilespmem:s8+$0xFFFFFFF0];
	[tilespmem:s7+$0xFFFFFFE0] =	vst v6  }
0x43: {  	s10 =	sadd.s32 $0x20, s17;
	v6 =	vor.u32 s11, v1;
	vm1 =	vgt.s32 v5, v0  }
0x44: {  	v5 =	vor.u32 s10, v1;
	s8 =	sadd.s32 $0x40, s8;
	s7 =	sadd.s32 $0x40, s7;
	vm0 =	vgt.s32 v6, v0;
	v6 =	vsel vm1, $0x0, v7  }
0x45: {  	v1 =	vor.u32 s17, v1;
	v3 =	vsel vm0, $0x0, v3;
	vm0 =	vgt.s32 v5, v0;
	[tilespmem:s7+$0x10] =	vst v6  }
0x46: {  	vm1 =	vgt.s32 v1, v0;
	[tilespmem:s7+$0xFFFFFFF0] =	vst v3;
	v1 =	vsel vm0, $0x0, v2  }
0x47: {  	v2 =	vsel vm1, $0x0, v4;
	[tilespmem:s7+$0x0] =	vst v1  }
0x48: {  	s8 =	simm.s32 $0x1100;
	[tilespmem:s7+$0xFFFFFFE0] =	vst v2;
	s7 =	simm.s32 $0x0  }
0x49: {  	[hbm4b:s20+s7] =	stream.linear.scatter [tilespmem:s8], [sflag:$0x3], $0x80, $0x38;
	[tilespmem:$0x2100] =	vst v63  }
0x4a: {  	s17 =	simm.s32 $0x1180  }
0x4b: {  	[hbm4b:s19+s7] =	stream.linear.scatter [tilespmem:s17], [sflag:$0x3], $0x80, $0x38;
	[tilespmem:$0x2100] =	vst v63  }
0x4c: {  	s19 =	simm.s32 $0x1200  }
0x4d: {  	[hbm4b:s23+s7] =	stream.linear.scatter [tilespmem:s19], [sflag:$0x3], $0x80, $0x38;
	[tilespmem:$0x2100] =	vst v63  }
0x4e: {  	s20 =	simm.s32 $0x1280  }
0x4f: {  	[hbm4b:s22+s7] =	stream.linear.scatter [tilespmem:s20], [sflag:$0x3], $0x80, $0x38;
	[tilespmem:$0x2100] =	vst v63  }
0x50: {  	s22 =	simm.s32 $0x1300  }
0x51: {  	[hbm4b:s21+s7] =	stream.linear.scatter [tilespmem:s22], [sflag:$0x3], $0x80, $0x38;
	[tilespmem:$0x2100] =	vst v63  }
0x52: {  	s23 =	simm.s32 $0x1380  }
0x53: {  	[hbm4b:s26+s7] =	stream.linear.scatter [tilespmem:s23], [sflag:$0x3], $0x80, $0x38;
	[tilespmem:$0x2100] =	vst v63  }
0x54: {  	s26 =	simm.s32 $0x1400  }
0x55: {  	[hbm4b:s25+s7] =	stream.linear.scatter [tilespmem:s26], [sflag:$0x3], $0x80, $0x38;
	[tilespmem:$0x2100] =	vst v63  }
0x56: {  	s9 =	simm.s32 $0x1480  }
0x57: {  	[hbm4b:s24+s7] =	stream.linear.scatter [tilespmem:s9], [sflag:$0x3], $0x80, $0x38;
	[tilespmem:$0x2100] =	vst v63  }
0x58: {  	s10 =	simm.s32 $0x1500  }
0x59: {  	[hbm4b:s30+s7] =	stream.linear.scatter [tilespmem:s10], [sflag:$0x3], $0x80, $0x38;
	[tilespmem:$0x2100] =	vst v63  }
0x5a: {  	s11 =	simm.s32 $0x1580  }
0x5b: {  	[hbm4b:s29+s7] =	stream.linear.scatter [tilespmem:s11], [sflag:$0x3], $0x80, $0x38;
	[tilespmem:$0x2100] =	vst v63  }
0x5c: {  	s17 =	simm.s32 $0x1600  }
0x5d: {  	[hbm4b:s28+s7] =	stream.linear.scatter [tilespmem:s17], [sflag:$0x3], $0x80, $0x38;
	[tilespmem:$0x2100] =	vst v63  }
0x5e: {  	s19 =	simm.s32 $0x1680  }
0x5f: {  	[hbm4b:s1+s7] =	stream.linear.scatter [tilespmem:s19], [sflag:$0x3], $0x80, $0x38;
	[tilespmem:$0x2100] =	vst v63  }
0x60: {  	s20 =	simm.s32 $0x1700  }
0x61: {  	[hbm4b:s0+s7] =	stream.linear.scatter [tilespmem:s20], [sflag:$0x3], $0x80, $0x38;
	[tilespmem:$0x2100] =	vst v63  }
0x62: {  	s21 =	simm.s32 $0x1780  }
0x63: {  	[hbm4b:s31+s7] =	stream.linear.scatter [tilespmem:s21], [sflag:$0x3], $0x80, $0x38;
	[tilespmem:$0x2100] =	vst v63  }
0x64: {  	s22 =	simm.s32 $0x1800  }
0x65: {  	[hbm4b:s2+s7] =	stream.linear.scatter [tilespmem:s22], [sflag:$0x3], $0x80, $0x38;
	[tilespmem:$0x2100] =	vst v63  }
0x66: {  	s23 =	simm.s32 $0x1880;
	s24 =	simm.s32 $0x2  }
0x67: {  	[hbm4b:s3+s7] =	stream.linear.scatter [tilespmem:s23], [sflag:$0x3], $0x80, $0x38;
	[tilespmem:$0x2100] =	vst v63  }
0x68: {  	_ =	swait.ge [sflag:s24], $0x800  }
0x69: {  	s25 =	sadd.s32 $0xFFFFF801, s4;
	[sflag:s24] =	ssyncset.done $0x0  }
0x6a: {  	p0 =	sgt.u32 s25, $0x7FF;
	[sflag:s24] =	ssyncadd.s32 $0xFFFFF800  }
0x6b: {  	v1 =	vld @!p0 [tilespmem:s6+$0x80];
	_ =	sdelay $0x2  }
0x6c: {  	v2 =	vlaneseq.u32 @!p0  }
0x6d: {  	s26 =	sadd.s32 $0x211C, s5;
	vm0 =	veq.s32 @!p0 v2, $0x0  }
0x6e: {  	s0 =	sshra.s32 s26, $0x2;
	v1 =	vsel @!p0 vm0, $0x66, v1  }
0x6f: {  	s28 =	sadd.s32 $0x80, s0;
	[tilespmem:s6+$0x80] =	vst @!p0 v1  }
0x70: {  	v6 =	vld [tilespmem:s28+$0x0]  }
0x71: {  	s29 =	simm.s32 $0x830;
	v1 =	vlaneseq.u32;
	v3 =	vld [tilespmem:s28+$0xFFFFFFE0]  }
0x72: {  	v4 =	vor.u32 s29, v1;
	v2 =	vld [tilespmem:s28+$0xFFFFFFF0]  }
0x73: {  	s30 =	simm.s32 $0x810;
	vm1 =	vgt.s32 v4, v0;
	v4 =	vld [tilespmem:s28+$0xFFFFFFD0]  }
0x74: {  	s1 =	simm.s32 $0x800;
	s31 =	simm.s32 $0x820;
	v5 =	vor.u32 s30, v1  }
0x75: {  	s0 =	simm.s32 $0x1930;
	s2 =	simm.s32 $0x840;
	s3 =	sadd.s32 $0x40, s28;
	vm0 =	vgt.s32 v5, v0;
	v5 =	vor.u32 s31, v1;
	v6 =	vsel vm1, $0x0, v6  }
.LBB2_3:
0x76: {  	v7 =	vld [tilespmem:s3+$0x0];
	p0 =	slt.u32 s2, $0xFC0;
	v8 =	vor.u32 s1, v1;
	v9 =	vsel vm0, $0x0, v3;
	vm0 =	vgt.s32 v5, v0;
	[tilespmem:s0+$0x0] =	vst v6;
	s1 =	smov.u32 s2;
	s2 =	sadd.s32 $0x40, s2  }
.Ltmp1:
0x77: {  	v3 =	vld [tilespmem:s3+$0xFFFFFFE0];
	vm1 =	vgt.s32 v8, v0;
	[tilespmem:s0+$0xFFFFFFE0] =	vst v9;
	v5 =	vsel vm0, $0x0, v2;
	(pc) =	sbr.rel @p0 .LBB2_3-.Ltmp1, $4  }
0x78: {  	s4 =	sadd.s32 $0x30, s1;
	v2 =	vld [tilespmem:s3+$0xFFFFFFF0];
	v6 =	vsel vm1, $0x0, v4;
	[tilespmem:s0+$0xFFFFFFF0] =	vst v5  }
0x79: {  	s5 =	sadd.s32 $0x10, s1;
	v5 =	vor.u32 s4, v1;
	v4 =	vld [tilespmem:s3+$0xFFFFFFD0];
	[tilespmem:s0+$0xFFFFFFD0] =	vst v6  }
0x7a: {  	s4 =	sadd.s32 $0x20, s1;
	v6 =	vor.u32 s5, v1;
	vm1 =	vgt.s32 v5, v0  }
0x7b: {  	v5 =	vor.u32 s4, v1;
	s3 =	sadd.s32 $0x40, s3;
	s0 =	sadd.s32 $0x40, s0;
	vm0 =	vgt.s32 v6, v0;
	v6 =	vsel vm1, $0x0, v7  }
0x7c: {  	v1 =	vor.u32 s1, v1;
	v3 =	vsel vm0, $0x0, v3;
	vm15 =	vgt.s32 v5, v0;
	[tilespmem:s0+$0x0] =	vst v6  }
0x7d: {  	vm1 =	vgt.s32 v1, v0;
	[tilespmem:s0+$0xFFFFFFE0] =	vst v3;
	v63 =	vsel vm15, $0x0, v2  }
0x7e: {  	v1 =	vsel vm1, $0x0, v4;
	[tilespmem:s0+$0xFFFFFFF0] =	vst v63  }
0x7f: {  	[tilespmem:s0+$0xFFFFFFD0] =	vst v1  }
0x80: {  	s26 =	simm.s32 $0x1900;
	s0 =	simm.s32 $0x0;
	s2 =	rddreg [dreg:$0x4]  }
0x81: {  	[hbm4b:s2+s0] =	stream.linear.scatter [tilespmem:s26], [sflag:$0x3], $0x80, $0x38;
	[tilespmem:$0x2100] =	vst v63  }
0x82: {  	s28 =	simm.s32 $0x1980;
	s29 =	rddreg [dreg:$0x5]  }
0x83: {  	[hbm4b:s29+s0] =	stream.linear.scatter [tilespmem:s28], [sflag:$0x3], $0x80, $0x38;
	[tilespmem:$0x2100] =	vst v63  }
0x84: {  	s30 =	simm.s32 $0x1A00;
	s31 =	rddreg [dreg:$0x7]  }
0x85: {  	[hbm4b:s31+s0] =	stream.linear.scatter [tilespmem:s30], [sflag:$0x3], $0x80, $0x38;
	[tilespmem:$0x2100] =	vst v63  }
0x86: {  	s3 =	simm.s32 $0x1A80;
	s4 =	rddreg [dreg:$0x6]  }
0x87: {  	[hbm4b:s4+s0] =	stream.linear.scatter [tilespmem:s3], [sflag:$0x3], $0x80, $0x38;
	[tilespmem:$0x2100] =	vst v63  }
0x88: {  	s5 =	simm.s32 $0x1B00;
	s6 =	rddreg [dreg:$0x8]  }
0x89: {  	[hbm4b:s6+s0] =	stream.linear.scatter [tilespmem:s5], [sflag:$0x3], $0x80, $0x38;
	[tilespmem:$0x2100] =	vst v63  }
0x8a: {  	s7 =	simm.s32 $0x1B80;
	s8 =	rddreg [dreg:$0x9]  }
0x8b: {  	[hbm4b:s8+s0] =	stream.linear.scatter [tilespmem:s7], [sflag:$0x3], $0x80, $0x38;
	[tilespmem:$0x2100] =	vst v63  }
0x8c: {  	s9 =	simm.s32 $0x1C00;
	s10 =	rddreg [dreg:$0xc]  }
0x8d: {  	[hbm4b:s10+s0] =	stream.linear.scatter [tilespmem:s9], [sflag:$0x3], $0x80, $0x38;
	[tilespmem:$0x2100] =	vst v63  }
0x8e: {  	s11 =	simm.s32 $0x1C80;
	s17 =	rddreg [dreg:$0xb]  }
0x8f: {  	[hbm4b:s17+s0] =	stream.linear.scatter [tilespmem:s11], [sflag:$0x3], $0x80, $0x38;
	[tilespmem:$0x2100] =	vst v63  }
0x90: {  	s19 =	simm.s32 $0x1D00;
	s20 =	rddreg [dreg:$0xa]  }
0x91: {  	[hbm4b:s20+s0] =	stream.linear.scatter [tilespmem:s19], [sflag:$0x3], $0x80, $0x38;
	[tilespmem:$0x2100] =	vst v63  }
0x92: {  	s21 =	simm.s32 $0x1D80  }
0x93: {  	[hbm4b:s12+s0] =	stream.linear.scatter [tilespmem:s21], [sflag:$0x3], $0x80, $0x38;
	[tilespmem:$0x2100] =	vst v63  }
0x94: {  	s22 =	simm.s32 $0x1E00;
	s23 =	rddreg [dreg:$0xd]  }
0x95: {  	[hbm4b:s23+s0] =	stream.linear.scatter [tilespmem:s22], [sflag:$0x3], $0x80, $0x38;
	[tilespmem:$0x2100] =	vst v63  }
0x96: {  	s24 =	simm.s32 $0x1E80  }
0x97: {  	[hbm4b:s15+s0] =	stream.linear.scatter [tilespmem:s24], [sflag:$0x3], $0x80, $0x38;
	[tilespmem:$0x2100] =	vst v63  }
0x98: {  	s25 =	simm.s32 $0x1F00  }
0x99: {  	[hbm4b:s14+s0] =	stream.linear.scatter [tilespmem:s25], [sflag:$0x3], $0x80, $0x38;
	[tilespmem:$0x2100] =	vst v63  }
0x9a: {  	s26 =	simm.s32 $0x1F80  }
0x9b: {  	[hbm4b:s13+s0] =	stream.linear.scatter [tilespmem:s26], [sflag:$0x3], $0x80, $0x38;
	[tilespmem:$0x2100] =	vst v63  }
0x9c: {  	s28 =	simm.s32 $0x2000  }
0x9d: {  	[hbm4b:s18+s0] =	stream.linear.scatter [tilespmem:s28], [sflag:$0x3], $0x80, $0x38;
	[tilespmem:$0x2100] =	vst v63  }
0x9e: {  	s29 =	simm.s32 $0x2080;
	s30 =	simm.s32 $0x3  }
0x9f: {  	[hbm4b:s16+s0] =	stream.linear.scatter [tilespmem:s29], [sflag:$0x3], $0x80, $0x38;
	[tilespmem:$0x2100] =	vst v63  }
0xa0: {  	_ =	swait.ge [sflag:s30], $0x80  }
0xa1: {  	[sflag:s30] =	ssyncset.done $0x0  }
0xa2: {  	[sflag:s30] =	ssyncadd.s32 $0xFFFFFF80  }
0xa3: {  	_ =	swait.ge [sflag:s30], $0x80  }
0xa4: {  	[sflag:s30] =	ssyncset.done $0x0  }
0xa5: {  	[sflag:s30] =	ssyncadd.s32 $0xFFFFFF80  }
0xa6: {  	_ =	swait.ge [sflag:s30], $0x80  }
0xa7: {  	[sflag:s30] =	ssyncset.done $0x0  }
0xa8: {  	[sflag:s30] =	ssyncadd.s32 $0xFFFFFF80  }
0xa9: {  	_ =	swait.ge [sflag:s30], $0x80  }
0xaa: {  	[sflag:s30] =	ssyncset.done $0x0  }
0xab: {  	[sflag:s30] =	ssyncadd.s32 $0xFFFFFF80  }
0xac: {  	_ =	swait.ge [sflag:s30], $0x80  }
0xad: {  	[sflag:s30] =	ssyncset.done $0x0  }
0xae: {  	[sflag:s30] =	ssyncadd.s32 $0xFFFFFF80  }
0xaf: {  	_ =	swait.ge [sflag:s30], $0x80  }
0xb0: {  	[sflag:s30] =	ssyncset.done $0x0  }
0xb1: {  	[sflag:s30] =	ssyncadd.s32 $0xFFFFFF80  }
0xb2: {  	_ =	swait.ge [sflag:s30], $0x80  }
0xb3: {  	[sflag:s30] =	ssyncset.done $0x0  }
0xb4: {  	[sflag:s30] =	ssyncadd.s32 $0xFFFFFF80  }
0xb5: {  	_ =	swait.ge [sflag:s30], $0x80  }
0xb6: {  	[sflag:s30] =	ssyncset.done $0x0  }
0xb7: {  	[sflag:s30] =	ssyncadd.s32 $0xFFFFFF80  }
0xb8: {  	_ =	swait.ge [sflag:s30], $0x80  }
0xb9: {  	[sflag:s30] =	ssyncset.done $0x0  }
0xba: {  	[sflag:s30] =	ssyncadd.s32 $0xFFFFFF80  }
0xbb: {  	_ =	swait.ge [sflag:s30], $0x80  }
0xbc: {  	[sflag:s30] =	ssyncset.done $0x0  }
0xbd: {  	[sflag:s30] =	ssyncadd.s32 $0xFFFFFF80  }
0xbe: {  	_ =	swait.ge [sflag:s30], $0x80  }
0xbf: {  	[sflag:s30] =	ssyncset.done $0x0  }
0xc0: {  	[sflag:s30] =	ssyncadd.s32 $0xFFFFFF80  }
0xc1: {  	_ =	swait.ge [sflag:s30], $0x80  }
0xc2: {  	[sflag:s30] =	ssyncset.done $0x0  }
0xc3: {  	[sflag:s30] =	ssyncadd.s32 $0xFFFFFF80  }
0xc4: {  	_ =	swait.ge [sflag:s30], $0x80  }
0xc5: {  	[sflag:s30] =	ssyncset.done $0x0  }
0xc6: {  	[sflag:s30] =	ssyncadd.s32 $0xFFFFFF80  }
0xc7: {  	_ =	swait.ge [sflag:s30], $0x80  }
0xc8: {  	[sflag:s30] =	ssyncset.done $0x0  }
0xc9: {  	[sflag:s30] =	ssyncadd.s32 $0xFFFFFF80  }
0xca: {  	_ =	swait.ge [sflag:s30], $0x80  }
0xcb: {  	[sflag:s30] =	ssyncset.done $0x0  }
0xcc: {  	[sflag:s30] =	ssyncadd.s32 $0xFFFFFF80  }
0xcd: {  	_ =	swait.ge [sflag:s30], $0x80  }
0xce: {  	[sflag:s30] =	ssyncset.done $0x0  }
0xcf: {  	[sflag:s30] =	ssyncadd.s32 $0xFFFFFF80  }
0xd0: {  	_ =	swait.ge [sflag:s30], $0x80  }
0xd1: {  	[sflag:s30] =	ssyncset.done $0x0  }
0xd2: {  	[sflag:s30] =	ssyncadd.s32 $0xFFFFFF80  }
0xd3: {  	_ =	swait.ge [sflag:s30], $0x80  }
0xd4: {  	[sflag:s30] =	ssyncset.done $0x0  }
0xd5: {  	[sflag:s30] =	ssyncadd.s32 $0xFFFFFF80  }
0xd6: {  	_ =	swait.ge [sflag:s30], $0x80  }
0xd7: {  	[sflag:s30] =	ssyncset.done $0x0  }
0xd8: {  	[sflag:s30] =	ssyncadd.s32 $0xFFFFFF80  }
0xd9: {  	_ =	swait.ge [sflag:s30], $0x80  }
0xda: {  	[sflag:s30] =	ssyncset.done $0x0  }
0xdb: {  	[sflag:s30] =	ssyncadd.s32 $0xFFFFFF80  }
0xdc: {  	_ =	swait.ge [sflag:s30], $0x80  }
0xdd: {  	[sflag:s30] =	ssyncset.done $0x0  }
0xde: {  	[sflag:s30] =	ssyncadd.s32 $0xFFFFFF80  }
0xdf: {  	_ =	swait.ge [sflag:s30], $0x80  }
0xe0: {  	[sflag:s30] =	ssyncset.done $0x0  }
0xe1: {  	[sflag:s30] =	ssyncadd.s32 $0xFFFFFF80  }
0xe2: {  	_ =	swait.ge [sflag:s30], $0x80  }
0xe3: {  	[sflag:s30] =	ssyncset.done $0x0  }
0xe4: {  	[sflag:s30] =	ssyncadd.s32 $0xFFFFFF80  }
0xe5: {  	_ =	swait.ge [sflag:s30], $0x80  }
0xe6: {  	[sflag:s30] =	ssyncset.done $0x0  }
0xe7: {  	[sflag:s30] =	ssyncadd.s32 $0xFFFFFF80  }
0xe8: {  	_ =	swait.ge [sflag:s30], $0x80  }
0xe9: {  	[sflag:s30] =	ssyncset.done $0x0  }
0xea: {  	[sflag:s30] =	ssyncadd.s32 $0xFFFFFF80  }
0xeb: {  	_ =	swait.ge [sflag:s30], $0x80  }
0xec: {  	[sflag:s30] =	ssyncset.done $0x0  }
0xed: {  	[sflag:s30] =	ssyncadd.s32 $0xFFFFFF80  }
0xee: {  	_ =	swait.ge [sflag:s30], $0x80  }
0xef: {  	[sflag:s30] =	ssyncset.done $0x0  }
0xf0: {  	[sflag:s30] =	ssyncadd.s32 $0xFFFFFF80  }
0xf1: {  	_ =	swait.ge [sflag:s30], $0x80  }
0xf2: {  	[sflag:s30] =	ssyncset.done $0x0  }
0xf3: {  	[sflag:s30] =	ssyncadd.s32 $0xFFFFFF80  }
0xf4: {  	_ =	swait.ge [sflag:s30], $0x80  }
0xf5: {  	[sflag:s30] =	ssyncset.done $0x0  }
0xf6: {  	[sflag:s30] =	ssyncadd.s32 $0xFFFFFF80  }
0xf7: {  	_ =	swait.ge [sflag:s30], $0x80  }
0xf8: {  	[sflag:s30] =	ssyncset.done $0x0  }
0xf9: {  	[sflag:s30] =	ssyncadd.s32 $0xFFFFFF80  }
0xfa: {  	_ =	swait.ge [sflag:s30], $0x80  }
0xfb: {  	[sflag:s30] =	ssyncset.done $0x0  }
0xfc: {  	[sflag:s30] =	ssyncadd.s32 $0xFFFFFF80  }
0xfd: {  	_ =	swait.ge [sflag:s30], $0x80  }
0xfe: {  	[sflag:s30] =	ssyncset.done $0x0  }
0xff: {  	[sflag:s30] =	ssyncadd.s32 $0xFFFFFF80  }
0x100: {  	_ =	sfence.sel $0x180000  }
0x101: {  	[bflag:$0x0] =	sbarrier.arrive $0xFFFF  }
0x102: {  	_ =	strace $0x90000047  }
0x103: {  	s31 =	stileid.u32;
	[bflag:$0x2] =	sbarrier.arrive $0xFFFF  }
0x104: {  	p0 =	sne.s32 s31, $0x0;
	s0 =	rddreg [dreg:$0x3]  }
0x105: {  	s0 =	sadd.s32 @!p0 $0x100000, s0  }
0x106: {  	[sflag:s0] =	ssyncadd.tile.s32 @!p0 $0x1;
	_ =	shalt  }
.Lfunc_end2:
_tile_overlayer_lowered:
.L_overlay_start_2:
0x107: {  	(tag) =	ssettag $0x2  }
0x108: {  	s0 =	rddreg [dreg:$0x0];
	s2 =	stileid.u32  }
0x109: {  	s1 =	rddreg [dreg:$0x1];
	p0 =	sne.s32 s2, $0x0  }
0x10a: {  	s3 =	rddreg [dreg:$0x2];
	[bflag:$0x3] =	sbarrier.arrive $0xFFFF;
	s2 =	simm.s32 @!p0 $0x1C04  }
0x10b: {  	[timem:s3], [sflag:s2] =	dma.local @!p0 [hbm:s0], s1  }
0x10c: {  	s0 =	simm.s32 @!p0 $0x4  }
0x10d: {  	_ =	swait.ge @!p0 [sflag:s0], s1  }
0x10e: {  	s1 =	ssub.s32 @!p0 $0x0, s1;
	[sflag:s0] =	ssyncset.done @!p0 $0x0  }
0x10f: {  	[sflag:s0] =	ssyncadd.s32 @!p0 s1  }
0x110: {  	[bflag:$0x3] =	sbarrier.arrive $0xFFFF  }
0x111: {  	_ =	shalt  }

</sc_bundles>
